<compile_context>
chip_gen: v7x
topology: tpu7x:2x2x1
jax: 0.10.2.dev20260603
libtpu: 0.0.44.dev20260713+nightly
codegen_flags: <defaults>
</compile_context>

<pallas_src>
import functools

import jax
import jax.numpy as jnp
from jax import lax
from jax.experimental import pallas as pl
from jax.experimental.pallas import tpu as pltpu
from jax.experimental.pallas import tpu_sc as plsc

NUM_ROWS = 1000
DIM = 64
BATCH = 4096
SEQ = 200

NC = 2
NS = 16
NW = NC * NS
BPW = BATCH // NW
IDX_PER_W = BPW * SEQ
L = 16
QW = DIM // L
NXC = 4
XC = BPW // NXC
BPAD = BPW + 1


@functools.partial(
    pl.kernel,
    out_type=jax.ShapeDtypeStruct((SEQ * 8, NW, 8, 128), jnp.float32),
    mesh=plsc.VectorSubcoreMesh(core_axis_name="c", subcore_axis_name="s"),
    scratch_types=[
        pltpu.VMEM_SHARED((NUM_ROWS, DIM), jnp.float32),
        pltpu.VMEM((XC * SEQ,), jnp.int32),
        pltpu.VMEM((SEQ, BPW), jnp.int32),
        pltpu.VMEM((BPW, DIM), jnp.float32),
        pltpu.VMEM((BPW, DIM), jnp.float32),
        pltpu.VMEM((8, 8, BPAD), jnp.float32),
        pltpu.VMEM((8, 8, BPAD), jnp.float32),
        pltpu.SemaphoreType.DMA,
        pltpu.SemaphoreType.DMA,
        pltpu.SemaphoreType.DMA,
        pltpu.SemaphoreType.DMA,
    ],
    compiler_params=pltpu.CompilerParams(use_tc_tiling_on_sc=False,
                                         needs_layout_passes=False),
)
def _lookup(x_hbm, table_hbm, out_hbm, table_sp, xc_v, xt_v,
            a0, a1, b0, b1, g0, g1, o0, o1):
    wid = lax.axis_index("s") * NC + lax.axis_index("c")

    @pl.when(lax.axis_index("s") == 0)
    def _():
        pltpu.sync_copy(table_hbm, table_sp)

    plsc.subcore_barrier()

    lane = lax.iota(jnp.int32, L)
    dcol = [lane + q * L for q in range(QW)]
    dtv = [(lane + q * L) // 8 for q in range(QW)]
    subv = [(lane + q * L) % 8 for q in range(QW)]
    lane_seq = lane * SEQ

    for c in range(NXC):
        pltpu.sync_copy(
            x_hbm.at[pl.ds(wid * IDX_PER_W + c * (XC * SEQ), XC * SEQ)],
            xc_v)

        @plsc.parallel_loop(0, SEQ)
        def _(j):
            for g in range(XC // L):
                idx = lane_seq + (g * L * SEQ) + j
                v = plsc.load_gather(xc_v, [idx])
                xt_v[j, pl.ds(c * XC + g * L, L)] = v

    def fire_gather(j, a, sem):
        src = table_sp.at[xt_v.at[j, pl.ds(0, BPW)]]
        pltpu.make_async_copy(src, a, sem).start()

    def wait_gather(a, sem):
        src = table_sp.at[xt_v.at[0, pl.ds(0, BPW)]]
        pltpu.make_async_copy(src, a, sem).wait()

    def transpose(a, b):
        @plsc.parallel_loop(0, BPW, step=2)
        def _(i0):
            for u in range(2):
                i = i0 + u
                icol = jnp.full((L,), i, jnp.int32)
                for q in range(QW):
                    v = a[i, pl.ds(q * L, L)]
                    plsc.store_scatter(b, [dtv[q], subv[q], icol], v)

    def start_out(j, b, sem):
        pltpu.make_async_copy(b.at[:, :, pl.ds(0, BPW)],
                              out_hbm.at[pl.ds(j * 8, 8), wid],
                              sem).start()

    def wait_out(b, sem):
        pltpu.make_async_copy(b.at[:, :, pl.ds(0, BPW)],
                              out_hbm.at[pl.ds(0, 8), wid],
                              sem).wait()

    fire_gather(0, a0, g0)
    fire_gather(1, a1, g1)

    @pl.loop(0, SEQ, step=2)
    def _(j):
        wait_gather(a0, g0)

        @pl.when(j >= 2)
        def _():
            wait_out(b0, o0)

        transpose(a0, b0)

        @pl.when(j + 2 < SEQ)
        def _():
            fire_gather(j + 2, a0, g0)

        start_out(j, b0, o0)

        wait_gather(a1, g1)

        @pl.when(j >= 2)
        def _():
            wait_out(b1, o1)

        transpose(a1, b1)

        @pl.when(j + 3 < SEQ)
        def _():
            fire_gather(j + 3, a1, g1)

        start_out(j + 1, b1, o1)

    wait_out(b0, o0)
    wait_out(b1, o1)


def kernel(x, table):
    t = _lookup(x.reshape(-1), table)
    a5 = t.reshape(SEQ, 8, NW, 8, 128)
    a5t = jnp.transpose(a5, (0, 1, 3, 2, 4))
    out3 = a5t.reshape(SEQ, DIM, BATCH)
    return jnp.transpose(out3, (2, 0, 1))

# --- scband reference (transcript-rebuilt; emitter-appended) ---
"""Pipeline reference for scband-custom-lulcembedding-49331994362064 (READ-ONLY COPY).

The authoritative reference and input builder live on the scoring server;
editing this copy changes nothing except your own understanding.
"""

import jax, jax.numpy as jnp
import numpy as np

NUM_CLASSES = 1000
EMBED_DIM = 64

def setup_inputs(seed: int = 0) -> dict:
    key = jax.random.key(seed)
    k1, k2 = jax.random.split(key)
    x = jax.random.randint(k1, (4096, 200), 0, NUM_CLASSES, dtype=jnp.int64 if jax.config.jax_enable_x64 else jnp.int32)
    table = jax.random.normal(k2, (NUM_CLASSES, EMBED_DIM), dtype=jnp.float32)
    # Mimic torch: weight.data[0].fill_(0)
    table = table.at[0].set(0.0)
    return {"x": x, "table": table}

def reference(x, table):
    # nn.Embedding lookup: gather rows of the table by integer index
    return jnp.take(table, x, axis=0)

if __name__ == "__main__":
    import jax
    _d = setup_inputs()
    print(jax.jit(kernel)(*tuple(_d.values())))

</pallas_src>

<mosaic_0001>
#map = affine_map<(d0, d1) -> (0)>
#map1 = affine_map<(d0, d1) -> (0, 0)>
#map2 = affine_map<(d0, d1) -> (0, 0, 0, 0)>
module attributes {stable_mosaic.version = 14 : i64} {
  func.func @_lookup(%arg0: i32, %arg1: i32, %arg2: memref<819200xi32, #tpu.memory_space<hbm>>, %arg3: memref<1000x64xf32, #tpu.memory_space<hbm>>, %arg4: memref<1600x32x8x128xf32, #tpu.memory_space<hbm>>, %arg5: memref<1000x64xf32, #tpu.memory_space<vmem_shared>>, %arg6: memref<6400xi32, #tpu.memory_space<vmem>>, %arg7: memref<200x128xi32, #tpu.memory_space<vmem>>, %arg8: memref<128x64xf32, #tpu.memory_space<vmem>>, %arg9: memref<128x64xf32, #tpu.memory_space<vmem>>, %arg10: memref<8x8x129xf32, #tpu.memory_space<vmem>>, %arg11: memref<8x8x129xf32, #tpu.memory_space<vmem>>, %arg12: memref<!tpu.dma_semaphore, #tpu.memory_space<semaphore_mem>>, %arg13: memref<!tpu.dma_semaphore, #tpu.memory_space<semaphore_mem>>, %arg14: memref<!tpu.dma_semaphore, #tpu.memory_space<semaphore_mem>>, %arg15: memref<!tpu.dma_semaphore, #tpu.memory_space<semaphore_mem>>) attributes {dimension_semantics = [#tpu.dimension_semantics<core_parallel>, #tpu.dimension_semantics<subcore_parallel>], iteration_bounds = array<i64: 2, 16>, scalar_prefetch = 0 : i64, scratch_operands = 11 : i64, tpu.core_type = #tpu.core_type<sc_vector_subcore>, window_params = [{transform_indices = #map}, {transform_indices = #map1}, {transform_indices = #map2}]} {
    %mul3A = arith.constant 2 : i32
    %mul3A_0 = arith.muli %arg1, %mul3A : i32
    %add3A = arith.addi %mul3A_0, %arg0 : i32
    %eq3A = arith.constant 0 : i32
    %eq3A_1 = arith.cmpi eq, %arg1, %eq3A : i32
    %convert_element_type3A = arith.extui %eq3A_1 : i1 to i32
    %cond3A = arith.constant 0 : i32
    %cond3A_2 = arith.cmpi ne, %convert_element_type3A, %cond3A : i32
    scf.if %cond3A_2 {
      "tpu.region"() ({
        %run_scoped3A = tpu.sem_alloc : memref<!tpu.dma_semaphore, #tpu.memory_space<semaphore_mem>>
        tpu.enqueue_dma source(%arg3 : memref<1000x64xf32, #tpu.memory_space<hbm>>) target(%arg5 : memref<1000x64xf32, #tpu.memory_space<vmem_shared>>) target_semaphore(%run_scoped3A : memref<!tpu.dma_semaphore, #tpu.memory_space<semaphore_mem>>)
        tpu.wait_dma2 semaphore(%run_scoped3A : memref<!tpu.dma_semaphore, #tpu.memory_space<semaphore_mem>>) src(%arg3 : memref<1000x64xf32, #tpu.memory_space<hbm>>) dst(%arg5 : memref<1000x64xf32, #tpu.memory_space<vmem_shared>>)
        tpu.yield
      }) : () -> ()
    } else {
    }
    %barrier3A = arith.constant 0 : index
    tpu.barrier barrier_id(%barrier3A)
    %iota3A = tpu.iota {dimensions = array<i32: 0>} : vector<16xi32>
    %add3A_3 = arith.constant 0 : i32
    %add3A_4 = vector.broadcast %add3A_3 : i32 to vector<16xi32>
    %add3A_5 = arith.addi %iota3A, %add3A_4 : vector<16xi32>
    %add3A_6 = arith.constant 16 : i32
    %add3A_7 = vector.broadcast %add3A_6 : i32 to vector<16xi32>
    %add3A_8 = arith.addi %iota3A, %add3A_7 : vector<16xi32>
    %add3A_9 = arith.constant 32 : i32
    %add3A_10 = vector.broadcast %add3A_9 : i32 to vector<16xi32>
    %add3A_11 = arith.addi %iota3A, %add3A_10 : vector<16xi32>
    %add3A_12 = arith.constant 48 : i32
    %add3A_13 = vector.broadcast %add3A_12 : i32 to vector<16xi32>
    %add3A_14 = arith.addi %iota3A, %add3A_13 : vector<16xi32>
    %add3A_15 = arith.constant 0 : i32
    %add3A_16 = vector.broadcast %add3A_15 : i32 to vector<16xi32>
    %add3A_17 = arith.addi %iota3A, %add3A_16 : vector<16xi32>
    %jit3A = arith.constant 8 : i32
    %div3A = vector.broadcast %jit3A : i32 to vector<16xi32>
    %div3A_18 = arith.divsi %add3A_17, %div3A : vector<16xi32>
    %sign3A = arith.constant 0 : i32
    %sign3A_19 = vector.broadcast %sign3A : i32 to vector<16xi32>
    %sign3A_20 = arith.cmpi sgt, %add3A_17, %sign3A_19 : vector<16xi32>
    %sign3A_21 = arith.extui %sign3A_20 : vector<16xi1> to vector<16xi32>
    %sign3A_22 = arith.constant 0 : i32
    %sign3A_23 = vector.broadcast %sign3A_22 : i32 to vector<16xi32>
    %sign3A_24 = arith.cmpi slt, %add3A_17, %sign3A_23 : vector<16xi32>
    %sign3A_25 = arith.extui %sign3A_24 : vector<16xi1> to vector<16xi32>
    %sign3A_26 = arith.subi %sign3A_21, %sign3A_25 : vector<16xi32>
    %sign3A_27 = arith.constant 0 : i32
    %sign3A_28 = arith.cmpi sgt, %jit3A, %sign3A_27 : i32
    %sign3A_29 = arith.extui %sign3A_28 : i1 to i32
    %sign3A_30 = arith.constant 0 : i32
    %sign3A_31 = arith.cmpi slt, %jit3A, %sign3A_30 : i32
    %sign3A_32 = arith.extui %sign3A_31 : i1 to i32
    %sign3A_33 = arith.subi %sign3A_29, %sign3A_32 : i32
    %ne3A = vector.broadcast %sign3A_33 : i32 to vector<16xi32>
    %ne3A_34 = arith.cmpi ne, %sign3A_26, %ne3A : vector<16xi32>
    %rem3A = vector.broadcast %jit3A : i32 to vector<16xi32>
    %rem3A_35 = arith.remsi %add3A_17, %rem3A : vector<16xi32>
    %ne3A_36 = arith.constant 0 : i32
    %ne3A_37 = vector.broadcast %ne3A_36 : i32 to vector<16xi32>
    %ne3A_38 = arith.cmpi ne, %rem3A_35, %ne3A_37 : vector<16xi32>
    %and3A = arith.andi %ne3A_34, %ne3A_38 : vector<16xi1>
    %sub3A = arith.constant 1 : i32
    %sub3A_39 = vector.broadcast %sub3A : i32 to vector<16xi32>
    %sub3A_40 = arith.subi %div3A_18, %sub3A_39 : vector<16xi32>
    %select_n3A = arith.select %and3A, %sub3A_40, %div3A_18 : vector<16xi1>, vector<16xi32>
    %add3A_41 = arith.constant 16 : i32
    %add3A_42 = vector.broadcast %add3A_41 : i32 to vector<16xi32>
    %add3A_43 = arith.addi %iota3A, %add3A_42 : vector<16xi32>
    %jit3A_44 = arith.constant 8 : i32
    %div3A_45 = vector.broadcast %jit3A_44 : i32 to vector<16xi32>
    %div3A_46 = arith.divsi %add3A_43, %div3A_45 : vector<16xi32>
    %sign3A_47 = arith.constant 0 : i32
    %sign3A_48 = vector.broadcast %sign3A_47 : i32 to vector<16xi32>
    %sign3A_49 = arith.cmpi sgt, %add3A_43, %sign3A_48 : vector<16xi32>
    %sign3A_50 = arith.extui %sign3A_49 : vector<16xi1> to vector<16xi32>
    %sign3A_51 = arith.constant 0 : i32
    %sign3A_52 = vector.broadcast %sign3A_51 : i32 to vector<16xi32>
    %sign3A_53 = arith.cmpi slt, %add3A_43, %sign3A_52 : vector<16xi32>
    %sign3A_54 = arith.extui %sign3A_53 : vector<16xi1> to vector<16xi32>
    %sign3A_55 = arith.subi %sign3A_50, %sign3A_54 : vector<16xi32>
    %sign3A_56 = arith.constant 0 : i32
    %sign3A_57 = arith.cmpi sgt, %jit3A_44, %sign3A_56 : i32
    %sign3A_58 = arith.extui %sign3A_57 : i1 to i32
    %sign3A_59 = arith.constant 0 : i32
    %sign3A_60 = arith.cmpi slt, %jit3A_44, %sign3A_59 : i32
    %sign3A_61 = arith.extui %sign3A_60 : i1 to i32
    %sign3A_62 = arith.subi %sign3A_58, %sign3A_61 : i32
    %ne3A_63 = vector.broadcast %sign3A_62 : i32 to vector<16xi32>
    %ne3A_64 = arith.cmpi ne, %sign3A_55, %ne3A_63 : vector<16xi32>
    %rem3A_65 = vector.broadcast %jit3A_44 : i32 to vector<16xi32>
    %rem3A_66 = arith.remsi %add3A_43, %rem3A_65 : vector<16xi32>
    %ne3A_67 = arith.constant 0 : i32
    %ne3A_68 = vector.broadcast %ne3A_67 : i32 to vector<16xi32>
    %ne3A_69 = arith.cmpi ne, %rem3A_66, %ne3A_68 : vector<16xi32>
    %and3A_70 = arith.andi %ne3A_64, %ne3A_69 : vector<16xi1>
    %sub3A_71 = arith.constant 1 : i32
    %sub3A_72 = vector.broadcast %sub3A_71 : i32 to vector<16xi32>
    %sub3A_73 = arith.subi %div3A_46, %sub3A_72 : vector<16xi32>
    %select_n3A_74 = arith.select %and3A_70, %sub3A_73, %div3A_46 : vector<16xi1>, vector<16xi32>
    %add3A_75 = arith.constant 32 : i32
    %add3A_76 = vector.broadcast %add3A_75 : i32 to vector<16xi32>
    %add3A_77 = arith.addi %iota3A, %add3A_76 : vector<16xi32>
    %jit3A_78 = arith.constant 8 : i32
    %div3A_79 = vector.broadcast %jit3A_78 : i32 to vector<16xi32>
    %div3A_80 = arith.divsi %add3A_77, %div3A_79 : vector<16xi32>
    %sign3A_81 = arith.constant 0 : i32
    %sign3A_82 = vector.broadcast %sign3A_81 : i32 to vector<16xi32>
    %sign3A_83 = arith.cmpi sgt, %add3A_77, %sign3A_82 : vector<16xi32>
    %sign3A_84 = arith.extui %sign3A_83 : vector<16xi1> to vector<16xi32>
    %sign3A_85 = arith.constant 0 : i32
    %sign3A_86 = vector.broadcast %sign3A_85 : i32 to vector<16xi32>
    %sign3A_87 = arith.cmpi slt, %add3A_77, %sign3A_86 : vector<16xi32>
    %sign3A_88 = arith.extui %sign3A_87 : vector<16xi1> to vector<16xi32>
    %sign3A_89 = arith.subi %sign3A_84, %sign3A_88 : vector<16xi32>
    %sign3A_90 = arith.constant 0 : i32
    %sign3A_91 = arith.cmpi sgt, %jit3A_78, %sign3A_90 : i32
    %sign3A_92 = arith.extui %sign3A_91 : i1 to i32
    %sign3A_93 = arith.constant 0 : i32
    %sign3A_94 = arith.cmpi slt, %jit3A_78, %sign3A_93 : i32
    %sign3A_95 = arith.extui %sign3A_94 : i1 to i32
    %sign3A_96 = arith.subi %sign3A_92, %sign3A_95 : i32
    %ne3A_97 = vector.broadcast %sign3A_96 : i32 to vector<16xi32>
    %ne3A_98 = arith.cmpi ne, %sign3A_89, %ne3A_97 : vector<16xi32>
    %rem3A_99 = vector.broadcast %jit3A_78 : i32 to vector<16xi32>
    %rem3A_100 = arith.remsi %add3A_77, %rem3A_99 : vector<16xi32>
    %ne3A_101 = arith.constant 0 : i32
    %ne3A_102 = vector.broadcast %ne3A_101 : i32 to vector<16xi32>
    %ne3A_103 = arith.cmpi ne, %rem3A_100, %ne3A_102 : vector<16xi32>
    %and3A_104 = arith.andi %ne3A_98, %ne3A_103 : vector<16xi1>
    %sub3A_105 = arith.constant 1 : i32
    %sub3A_106 = vector.broadcast %sub3A_105 : i32 to vector<16xi32>
    %sub3A_107 = arith.subi %div3A_80, %sub3A_106 : vector<16xi32>
    %select_n3A_108 = arith.select %and3A_104, %sub3A_107, %div3A_80 : vector<16xi1>, vector<16xi32>
    %add3A_109 = arith.constant 48 : i32
    %add3A_110 = vector.broadcast %add3A_109 : i32 to vector<16xi32>
    %add3A_111 = arith.addi %iota3A, %add3A_110 : vector<16xi32>
    %jit3A_112 = arith.constant 8 : i32
    %div3A_113 = vector.broadcast %jit3A_112 : i32 to vector<16xi32>
    %div3A_114 = arith.divsi %add3A_111, %div3A_113 : vector<16xi32>
    %sign3A_115 = arith.constant 0 : i32
    %sign3A_116 = vector.broadcast %sign3A_115 : i32 to vector<16xi32>
    %sign3A_117 = arith.cmpi sgt, %add3A_111, %sign3A_116 : vector<16xi32>
    %sign3A_118 = arith.extui %sign3A_117 : vector<16xi1> to vector<16xi32>
    %sign3A_119 = arith.constant 0 : i32
    %sign3A_120 = vector.broadcast %sign3A_119 : i32 to vector<16xi32>
    %sign3A_121 = arith.cmpi slt, %add3A_111, %sign3A_120 : vector<16xi32>
    %sign3A_122 = arith.extui %sign3A_121 : vector<16xi1> to vector<16xi32>
    %sign3A_123 = arith.subi %sign3A_118, %sign3A_122 : vector<16xi32>
    %sign3A_124 = arith.constant 0 : i32
    %sign3A_125 = arith.cmpi sgt, %jit3A_112, %sign3A_124 : i32
    %sign3A_126 = arith.extui %sign3A_125 : i1 to i32
    %sign3A_127 = arith.constant 0 : i32
    %sign3A_128 = arith.cmpi slt, %jit3A_112, %sign3A_127 : i32
    %sign3A_129 = arith.extui %sign3A_128 : i1 to i32
    %sign3A_130 = arith.subi %sign3A_126, %sign3A_129 : i32
    %ne3A_131 = vector.broadcast %sign3A_130 : i32 to vector<16xi32>
    %ne3A_132 = arith.cmpi ne, %sign3A_123, %ne3A_131 : vector<16xi32>
    %rem3A_133 = vector.broadcast %jit3A_112 : i32 to vector<16xi32>
    %rem3A_134 = arith.remsi %add3A_111, %rem3A_133 : vector<16xi32>
    %ne3A_135 = arith.constant 0 : i32
    %ne3A_136 = vector.broadcast %ne3A_135 : i32 to vector<16xi32>
    %ne3A_137 = arith.cmpi ne, %rem3A_134, %ne3A_136 : vector<16xi32>
    %and3A_138 = arith.andi %ne3A_132, %ne3A_137 : vector<16xi1>
    %sub3A_139 = arith.constant 1 : i32
    %sub3A_140 = vector.broadcast %sub3A_139 : i32 to vector<16xi32>
    %sub3A_141 = arith.subi %div3A_114, %sub3A_140 : vector<16xi32>
    %select_n3A_142 = arith.select %and3A_138, %sub3A_141, %div3A_114 : vector<16xi1>, vector<16xi32>
    %add3A_143 = arith.constant 0 : i32
    %add3A_144 = vector.broadcast %add3A_143 : i32 to vector<16xi32>
    %add3A_145 = arith.addi %iota3A, %add3A_144 : vector<16xi32>
    %jit3A_146 = arith.constant 8 : i32
    %eq3A_147 = arith.constant 0 : i32
    %eq3A_148 = arith.cmpi eq, %jit3A_146, %eq3A_147 : i32
    %jit3A_149 = arith.constant 1 : i32
    %select_n3A_150 = arith.select %eq3A_148, %jit3A_149, %jit3A_146 : i32
    %rem3A_151 = vector.broadcast %select_n3A_150 : i32 to vector<16xi32>
    %rem3A_152 = arith.remsi %add3A_145, %rem3A_151 : vector<16xi32>
    %ne3A_153 = arith.constant 0 : i32
    %ne3A_154 = vector.broadcast %ne3A_153 : i32 to vector<16xi32>
    %ne3A_155 = arith.cmpi ne, %rem3A_152, %ne3A_154 : vector<16xi32>
    %lt3A = arith.constant 0 : i32
    %lt3A_156 = vector.broadcast %lt3A : i32 to vector<16xi32>
    %lt3A_157 = arith.cmpi slt, %rem3A_152, %lt3A_156 : vector<16xi32>
    %lt3A_158 = arith.constant 0 : i32
    %lt3A_159 = arith.cmpi slt, %select_n3A_150, %lt3A_158 : i32
    %ne3A_160 = vector.broadcast %lt3A_159 : i1 to vector<16xi1>
    %ne3A_161 = vector.broadcast %ne3A_160 : vector<16xi1> to vector<16xi1>
    %ne3A_162 = arith.xori %lt3A_157, %ne3A_161 : vector<16xi1>
    %and3A_163 = arith.andi %ne3A_162, %ne3A_155 : vector<16xi1>
    %add3A_164 = vector.broadcast %select_n3A_150 : i32 to vector<16xi32>
    %add3A_165 = arith.addi %rem3A_152, %add3A_164 : vector<16xi32>
    %select_n3A_166 = arith.select %and3A_163, %add3A_165, %rem3A_152 : vector<16xi1>, vector<16xi32>
    %add3A_167 = arith.constant 16 : i32
    %add3A_168 = vector.broadcast %add3A_167 : i32 to vector<16xi32>
    %add3A_169 = arith.addi %iota3A, %add3A_168 : vector<16xi32>
    %jit3A_170 = arith.constant 8 : i32
    %eq3A_171 = arith.constant 0 : i32
    %eq3A_172 = arith.cmpi eq, %jit3A_170, %eq3A_171 : i32
    %jit3A_173 = arith.constant 1 : i32
    %select_n3A_174 = arith.select %eq3A_172, %jit3A_173, %jit3A_170 : i32
    %rem3A_175 = vector.broadcast %select_n3A_174 : i32 to vector<16xi32>
    %rem3A_176 = arith.remsi %add3A_169, %rem3A_175 : vector<16xi32>
    %ne3A_177 = arith.constant 0 : i32
    %ne3A_178 = vector.broadcast %ne3A_177 : i32 to vector<16xi32>
    %ne3A_179 = arith.cmpi ne, %rem3A_176, %ne3A_178 : vector<16xi32>
    %lt3A_180 = arith.constant 0 : i32
    %lt3A_181 = vector.broadcast %lt3A_180 : i32 to vector<16xi32>
    %lt3A_182 = arith.cmpi slt, %rem3A_176, %lt3A_181 : vector<16xi32>
    %lt3A_183 = arith.constant 0 : i32
    %lt3A_184 = arith.cmpi slt, %select_n3A_174, %lt3A_183 : i32
    %ne3A_185 = vector.broadcast %lt3A_184 : i1 to vector<16xi1>
    %ne3A_186 = vector.broadcast %ne3A_185 : vector<16xi1> to vector<16xi1>
    %ne3A_187 = arith.xori %lt3A_182, %ne3A_186 : vector<16xi1>
    %and3A_188 = arith.andi %ne3A_187, %ne3A_179 : vector<16xi1>
    %add3A_189 = vector.broadcast %select_n3A_174 : i32 to vector<16xi32>
    %add3A_190 = arith.addi %rem3A_176, %add3A_189 : vector<16xi32>
    %select_n3A_191 = arith.select %and3A_188, %add3A_190, %rem3A_176 : vector<16xi1>, vector<16xi32>
    %add3A_192 = arith.constant 32 : i32
    %add3A_193 = vector.broadcast %add3A_192 : i32 to vector<16xi32>
    %add3A_194 = arith.addi %iota3A, %add3A_193 : vector<16xi32>
    %jit3A_195 = arith.constant 8 : i32
    %eq3A_196 = arith.constant 0 : i32
    %eq3A_197 = arith.cmpi eq, %jit3A_195, %eq3A_196 : i32
    %jit3A_198 = arith.constant 1 : i32
    %select_n3A_199 = arith.select %eq3A_197, %jit3A_198, %jit3A_195 : i32
    %rem3A_200 = vector.broadcast %select_n3A_199 : i32 to vector<16xi32>
    %rem3A_201 = arith.remsi %add3A_194, %rem3A_200 : vector<16xi32>
    %ne3A_202 = arith.constant 0 : i32
    %ne3A_203 = vector.broadcast %ne3A_202 : i32 to vector<16xi32>
    %ne3A_204 = arith.cmpi ne, %rem3A_201, %ne3A_203 : vector<16xi32>
    %lt3A_205 = arith.constant 0 : i32
    %lt3A_206 = vector.broadcast %lt3A_205 : i32 to vector<16xi32>
    %lt3A_207 = arith.cmpi slt, %rem3A_201, %lt3A_206 : vector<16xi32>
    %lt3A_208 = arith.constant 0 : i32
    %lt3A_209 = arith.cmpi slt, %select_n3A_199, %lt3A_208 : i32
    %ne3A_210 = vector.broadcast %lt3A_209 : i1 to vector<16xi1>
    %ne3A_211 = vector.broadcast %ne3A_210 : vector<16xi1> to vector<16xi1>
    %ne3A_212 = arith.xori %lt3A_207, %ne3A_211 : vector<16xi1>
    %and3A_213 = arith.andi %ne3A_212, %ne3A_204 : vector<16xi1>
    %add3A_214 = vector.broadcast %select_n3A_199 : i32 to vector<16xi32>
    %add3A_215 = arith.addi %rem3A_201, %add3A_214 : vector<16xi32>
    %select_n3A_216 = arith.select %and3A_213, %add3A_215, %rem3A_201 : vector<16xi1>, vector<16xi32>
    %add3A_217 = arith.constant 48 : i32
    %add3A_218 = vector.broadcast %add3A_217 : i32 to vector<16xi32>
    %add3A_219 = arith.addi %iota3A, %add3A_218 : vector<16xi32>
    %jit3A_220 = arith.constant 8 : i32
    %eq3A_221 = arith.constant 0 : i32
    %eq3A_222 = arith.cmpi eq, %jit3A_220, %eq3A_221 : i32
    %jit3A_223 = arith.constant 1 : i32
    %select_n3A_224 = arith.select %eq3A_222, %jit3A_223, %jit3A_220 : i32
    %rem3A_225 = vector.broadcast %select_n3A_224 : i32 to vector<16xi32>
    %rem3A_226 = arith.remsi %add3A_219, %rem3A_225 : vector<16xi32>
    %ne3A_227 = arith.constant 0 : i32
    %ne3A_228 = vector.broadcast %ne3A_227 : i32 to vector<16xi32>
    %ne3A_229 = arith.cmpi ne, %rem3A_226, %ne3A_228 : vector<16xi32>
    %lt3A_230 = arith.constant 0 : i32
    %lt3A_231 = vector.broadcast %lt3A_230 : i32 to vector<16xi32>
    %lt3A_232 = arith.cmpi slt, %rem3A_226, %lt3A_231 : vector<16xi32>
    %lt3A_233 = arith.constant 0 : i32
    %lt3A_234 = arith.cmpi slt, %select_n3A_224, %lt3A_233 : i32
    %ne3A_235 = vector.broadcast %lt3A_234 : i1 to vector<16xi1>
    %ne3A_236 = vector.broadcast %ne3A_235 : vector<16xi1> to vector<16xi1>
    %ne3A_237 = arith.xori %lt3A_232, %ne3A_236 : vector<16xi1>
    %and3A_238 = arith.andi %ne3A_237, %ne3A_229 : vector<16xi1>
    %add3A_239 = vector.broadcast %select_n3A_224 : i32 to vector<16xi32>
    %add3A_240 = arith.addi %rem3A_226, %add3A_239 : vector<16xi32>
    %select_n3A_241 = arith.select %and3A_238, %add3A_240, %rem3A_226 : vector<16xi1>, vector<16xi32>
    %mul3A_242 = arith.constant 200 : i32
    %mul3A_243 = vector.broadcast %mul3A_242 : i32 to vector<16xi32>
    %mul3A_244 = arith.muli %iota3A, %mul3A_243 : vector<16xi32>
    %mul3A_245 = arith.constant 25600 : i32
    %mul3A_246 = arith.muli %add3A, %mul3A_245 : i32
    %add3A_247 = arith.constant 0 : i32
    %add3A_248 = arith.addi %mul3A_246, %add3A_247 : i32
    "tpu.region"() ({
      %run_scoped3A = tpu.sem_alloc : memref<!tpu.dma_semaphore, #tpu.memory_space<semaphore_mem>>
      %dma_start3A_324 = tpu.memref_slice %arg2[%add3A_248] : memref<819200xi32, #tpu.memory_space<hbm>> -> memref<6400xi32, #tpu.memory_space<hbm>>
      %dma_start3A_325 = tpu.memref_slice %arg2[%add3A_248] : memref<819200xi32, #tpu.memory_space<hbm>> -> memref<6400xi32, #tpu.memory_space<hbm>>
      tpu.enqueue_dma source(%dma_start3A_325 : memref<6400xi32, #tpu.memory_space<hbm>>) target(%arg6 : memref<6400xi32, #tpu.memory_space<vmem>>) target_semaphore(%run_scoped3A : memref<!tpu.dma_semaphore, #tpu.memory_space<semaphore_mem>>)
      %dma_wait3A_326 = tpu.memref_slice %arg2[%add3A_248] : memref<819200xi32, #tpu.memory_space<hbm>> -> memref<6400xi32, #tpu.memory_space<hbm>>
      %dma_wait3A_327 = tpu.memref_slice %arg2[%add3A_248] : memref<819200xi32, #tpu.memory_space<hbm>> -> memref<6400xi32, #tpu.memory_space<hbm>>
      tpu.wait_dma2 semaphore(%run_scoped3A : memref<!tpu.dma_semaphore, #tpu.memory_space<semaphore_mem>>) src(%dma_wait3A_327 : memref<6400xi32, #tpu.memory_space<hbm>>) dst(%arg6 : memref<6400xi32, #tpu.memory_space<vmem>>)
      tpu.yield
    }) : () -> ()
    %parallel_loop3A = arith.constant 0 : i32
    %parallel_loop3A_249 = arith.constant 200 : i32
    %parallel_loop3A_250 = arith.constant 1 : i32
    scf.for %parallel_loop3A_324 = %parallel_loop3A to %parallel_loop3A_249 step %parallel_loop3A_250  : i32 {
      %parallel_loop3A_325 = arith.constant 0 : i32
      %parallel_loop3A_326 = vector.broadcast %parallel_loop3A_325 : i32 to vector<16xi32>
      %parallel_loop3A_327 = arith.addi %mul3A_244, %parallel_loop3A_326 : vector<16xi32>
      %parallel_loop3A_328 = vector.broadcast %parallel_loop3A_324 : i32 to vector<16xi32>
      %parallel_loop3A_329 = arith.addi %parallel_loop3A_327, %parallel_loop3A_328 : vector<16xi32>
      %parallel_loop3A_330 = tpu.vector_load_idx %arg6[%parallel_loop3A_329] : memref<6400xi32, #tpu.memory_space<vmem>>[vector<16xi32>], vector<16xi32>,
      %parallel_loop3A_331 = arith.index_cast %parallel_loop3A_324 : i32 to index
      %parallel_loop3A_332 = arith.constant 0 : index
      %parallel_loop3A_333 = tpu.vector_load %arg7[%parallel_loop3A_331, %parallel_loop3A_332] {strides = array<i32>} : memref<200x128xi32, #tpu.memory_space<vmem>>, vector<16xi32>,
      tpu.vector_store %arg7[%parallel_loop3A_331, %parallel_loop3A_332], %parallel_loop3A_330 {strides = array<i32>} : memref<200x128xi32, #tpu.memory_space<vmem>>, vector<16xi32>,
      %parallel_loop3A_334 = arith.constant 3200 : i32
      %parallel_loop3A_335 = vector.broadcast %parallel_loop3A_334 : i32 to vector<16xi32>
      %parallel_loop3A_336 = arith.addi %mul3A_244, %parallel_loop3A_335 : vector<16xi32>
      %parallel_loop3A_337 = vector.broadcast %parallel_loop3A_324 : i32 to vector<16xi32>
      %parallel_loop3A_338 = arith.addi %parallel_loop3A_336, %parallel_loop3A_337 : vector<16xi32>
      %parallel_loop3A_339 = tpu.vector_load_idx %arg6[%parallel_loop3A_338] : memref<6400xi32, #tpu.memory_space<vmem>>[vector<16xi32>], vector<16xi32>,
      %parallel_loop3A_340 = arith.index_cast %parallel_loop3A_324 : i32 to index
      %parallel_loop3A_341 = arith.constant 16 : index
      %parallel_loop3A_342 = tpu.vector_load %arg7[%parallel_loop3A_340, %parallel_loop3A_341] {strides = array<i32>} : memref<200x128xi32, #tpu.memory_space<vmem>>, vector<16xi32>,
      tpu.vector_store %arg7[%parallel_loop3A_340, %parallel_loop3A_341], %parallel_loop3A_339 {strides = array<i32>} : memref<200x128xi32, #tpu.memory_space<vmem>>, vector<16xi32>,
    } {sc.loop_unroll_factor = 1 : i64, sc.parallel_access}
    %mul3A_251 = arith.constant 25600 : i32
    %mul3A_252 = arith.muli %add3A, %mul3A_251 : i32
    %add3A_253 = arith.constant 6400 : i32
    %add3A_254 = arith.addi %mul3A_252, %add3A_253 : i32
    "tpu.region"() ({
      %run_scoped3A = tpu.sem_alloc : memref<!tpu.dma_semaphore, #tpu.memory_space<semaphore_mem>>
      %dma_start3A_324 = tpu.memref_slice %arg2[%add3A_254] : memref<819200xi32, #tpu.memory_space<hbm>> -> memref<6400xi32, #tpu.memory_space<hbm>>
      %dma_start3A_325 = tpu.memref_slice %arg2[%add3A_254] : memref<819200xi32, #tpu.memory_space<hbm>> -> memref<6400xi32, #tpu.memory_space<hbm>>
      tpu.enqueue_dma source(%dma_start3A_325 : memref<6400xi32, #tpu.memory_space<hbm>>) target(%arg6 : memref<6400xi32, #tpu.memory_space<vmem>>) target_semaphore(%run_scoped3A : memref<!tpu.dma_semaphore, #tpu.memory_space<semaphore_mem>>)
      %dma_wait3A_326 = tpu.memref_slice %arg2[%add3A_254] : memref<819200xi32, #tpu.memory_space<hbm>> -> memref<6400xi32, #tpu.memory_space<hbm>>
      %dma_wait3A_327 = tpu.memref_slice %arg2[%add3A_254] : memref<819200xi32, #tpu.memory_space<hbm>> -> memref<6400xi32, #tpu.memory_space<hbm>>
      tpu.wait_dma2 semaphore(%run_scoped3A : memref<!tpu.dma_semaphore, #tpu.memory_space<semaphore_mem>>) src(%dma_wait3A_327 : memref<6400xi32, #tpu.memory_space<hbm>>) dst(%arg6 : memref<6400xi32, #tpu.memory_space<vmem>>)
      tpu.yield
    }) : () -> ()
    %parallel_loop3A_255 = arith.constant 0 : i32
    %parallel_loop3A_256 = arith.constant 200 : i32
    %parallel_loop3A_257 = arith.constant 1 : i32
    scf.for %parallel_loop3A_324 = %parallel_loop3A_255 to %parallel_loop3A_256 step %parallel_loop3A_257  : i32 {
      %parallel_loop3A_325 = arith.constant 0 : i32
      %parallel_loop3A_326 = vector.broadcast %parallel_loop3A_325 : i32 to vector<16xi32>
      %parallel_loop3A_327 = arith.addi %mul3A_244, %parallel_loop3A_326 : vector<16xi32>
      %parallel_loop3A_328 = vector.broadcast %parallel_loop3A_324 : i32 to vector<16xi32>
      %parallel_loop3A_329 = arith.addi %parallel_loop3A_327, %parallel_loop3A_328 : vector<16xi32>
      %parallel_loop3A_330 = tpu.vector_load_idx %arg6[%parallel_loop3A_329] : memref<6400xi32, #tpu.memory_space<vmem>>[vector<16xi32>], vector<16xi32>,
      %parallel_loop3A_331 = arith.index_cast %parallel_loop3A_324 : i32 to index
      %parallel_loop3A_332 = arith.constant 32 : index
      %parallel_loop3A_333 = tpu.vector_load %arg7[%parallel_loop3A_331, %parallel_loop3A_332] {strides = array<i32>} : memref<200x128xi32, #tpu.memory_space<vmem>>, vector<16xi32>,
      tpu.vector_store %arg7[%parallel_loop3A_331, %parallel_loop3A_332], %parallel_loop3A_330 {strides = array<i32>} : memref<200x128xi32, #tpu.memory_space<vmem>>, vector<16xi32>,
      %parallel_loop3A_334 = arith.constant 3200 : i32
      %parallel_loop3A_335 = vector.broadcast %parallel_loop3A_334 : i32 to vector<16xi32>
      %parallel_loop3A_336 = arith.addi %mul3A_244, %parallel_loop3A_335 : vector<16xi32>
      %parallel_loop3A_337 = vector.broadcast %parallel_loop3A_324 : i32 to vector<16xi32>
      %parallel_loop3A_338 = arith.addi %parallel_loop3A_336, %parallel_loop3A_337 : vector<16xi32>
      %parallel_loop3A_339 = tpu.vector_load_idx %arg6[%parallel_loop3A_338] : memref<6400xi32, #tpu.memory_space<vmem>>[vector<16xi32>], vector<16xi32>,
      %parallel_loop3A_340 = arith.index_cast %parallel_loop3A_324 : i32 to index
      %parallel_loop3A_341 = arith.constant 48 : index
      %parallel_loop3A_342 = tpu.vector_load %arg7[%parallel_loop3A_340, %parallel_loop3A_341] {strides = array<i32>} : memref<200x128xi32, #tpu.memory_space<vmem>>, vector<16xi32>,
      tpu.vector_store %arg7[%parallel_loop3A_340, %parallel_loop3A_341], %parallel_loop3A_339 {strides = array<i32>} : memref<200x128xi32, #tpu.memory_space<vmem>>, vector<16xi32>,
    } {sc.loop_unroll_factor = 1 : i64, sc.parallel_access}
    %mul3A_258 = arith.constant 25600 : i32
    %mul3A_259 = arith.muli %add3A, %mul3A_258 : i32
    %add3A_260 = arith.constant 12800 : i32
    %add3A_261 = arith.addi %mul3A_259, %add3A_260 : i32
    "tpu.region"() ({
      %run_scoped3A = tpu.sem_alloc : memref<!tpu.dma_semaphore, #tpu.memory_space<semaphore_mem>>
      %dma_start3A_324 = tpu.memref_slice %arg2[%add3A_261] : memref<819200xi32, #tpu.memory_space<hbm>> -> memref<6400xi32, #tpu.memory_space<hbm>>
      %dma_start3A_325 = tpu.memref_slice %arg2[%add3A_261] : memref<819200xi32, #tpu.memory_space<hbm>> -> memref<6400xi32, #tpu.memory_space<hbm>>
      tpu.enqueue_dma source(%dma_start3A_325 : memref<6400xi32, #tpu.memory_space<hbm>>) target(%arg6 : memref<6400xi32, #tpu.memory_space<vmem>>) target_semaphore(%run_scoped3A : memref<!tpu.dma_semaphore, #tpu.memory_space<semaphore_mem>>)
      %dma_wait3A_326 = tpu.memref_slice %arg2[%add3A_261] : memref<819200xi32, #tpu.memory_space<hbm>> -> memref<6400xi32, #tpu.memory_space<hbm>>
      %dma_wait3A_327 = tpu.memref_slice %arg2[%add3A_261] : memref<819200xi32, #tpu.memory_space<hbm>> -> memref<6400xi32, #tpu.memory_space<hbm>>
      tpu.wait_dma2 semaphore(%run_scoped3A : memref<!tpu.dma_semaphore, #tpu.memory_space<semaphore_mem>>) src(%dma_wait3A_327 : memref<6400xi32, #tpu.memory_space<hbm>>) dst(%arg6 : memref<6400xi32, #tpu.memory_space<vmem>>)
      tpu.yield
    }) : () -> ()
    %parallel_loop3A_262 = arith.constant 0 : i32
    %parallel_loop3A_263 = arith.constant 200 : i32
    %parallel_loop3A_264 = arith.constant 1 : i32
    scf.for %parallel_loop3A_324 = %parallel_loop3A_262 to %parallel_loop3A_263 step %parallel_loop3A_264  : i32 {
      %parallel_loop3A_325 = arith.constant 0 : i32
      %parallel_loop3A_326 = vector.broadcast %parallel_loop3A_325 : i32 to vector<16xi32>
      %parallel_loop3A_327 = arith.addi %mul3A_244, %parallel_loop3A_326 : vector<16xi32>
      %parallel_loop3A_328 = vector.broadcast %parallel_loop3A_324 : i32 to vector<16xi32>
      %parallel_loop3A_329 = arith.addi %parallel_loop3A_327, %parallel_loop3A_328 : vector<16xi32>
      %parallel_loop3A_330 = tpu.vector_load_idx %arg6[%parallel_loop3A_329] : memref<6400xi32, #tpu.memory_space<vmem>>[vector<16xi32>], vector<16xi32>,
      %parallel_loop3A_331 = arith.index_cast %parallel_loop3A_324 : i32 to index
      %parallel_loop3A_332 = arith.constant 64 : index
      %parallel_loop3A_333 = tpu.vector_load %arg7[%parallel_loop3A_331, %parallel_loop3A_332] {strides = array<i32>} : memref<200x128xi32, #tpu.memory_space<vmem>>, vector<16xi32>,
      tpu.vector_store %arg7[%parallel_loop3A_331, %parallel_loop3A_332], %parallel_loop3A_330 {strides = array<i32>} : memref<200x128xi32, #tpu.memory_space<vmem>>, vector<16xi32>,
      %parallel_loop3A_334 = arith.constant 3200 : i32
      %parallel_loop3A_335 = vector.broadcast %parallel_loop3A_334 : i32 to vector<16xi32>
      %parallel_loop3A_336 = arith.addi %mul3A_244, %parallel_loop3A_335 : vector<16xi32>
      %parallel_loop3A_337 = vector.broadcast %parallel_loop3A_324 : i32 to vector<16xi32>
      %parallel_loop3A_338 = arith.addi %parallel_loop3A_336, %parallel_loop3A_337 : vector<16xi32>
      %parallel_loop3A_339 = tpu.vector_load_idx %arg6[%parallel_loop3A_338] : memref<6400xi32, #tpu.memory_space<vmem>>[vector<16xi32>], vector<16xi32>,
      %parallel_loop3A_340 = arith.index_cast %parallel_loop3A_324 : i32 to index
      %parallel_loop3A_341 = arith.constant 80 : index
      %parallel_loop3A_342 = tpu.vector_load %arg7[%parallel_loop3A_340, %parallel_loop3A_341] {strides = array<i32>} : memref<200x128xi32, #tpu.memory_space<vmem>>, vector<16xi32>,
      tpu.vector_store %arg7[%parallel_loop3A_340, %parallel_loop3A_341], %parallel_loop3A_339 {strides = array<i32>} : memref<200x128xi32, #tpu.memory_space<vmem>>, vector<16xi32>,
    } {sc.loop_unroll_factor = 1 : i64, sc.parallel_access}
    %mul3A_265 = arith.constant 25600 : i32
    %mul3A_266 = arith.muli %add3A, %mul3A_265 : i32
    %add3A_267 = arith.constant 19200 : i32
    %add3A_268 = arith.addi %mul3A_266, %add3A_267 : i32
    "tpu.region"() ({
      %run_scoped3A = tpu.sem_alloc : memref<!tpu.dma_semaphore, #tpu.memory_space<semaphore_mem>>
      %dma_start3A_324 = tpu.memref_slice %arg2[%add3A_268] : memref<819200xi32, #tpu.memory_space<hbm>> -> memref<6400xi32, #tpu.memory_space<hbm>>
      %dma_start3A_325 = tpu.memref_slice %arg2[%add3A_268] : memref<819200xi32, #tpu.memory_space<hbm>> -> memref<6400xi32, #tpu.memory_space<hbm>>
      tpu.enqueue_dma source(%dma_start3A_325 : memref<6400xi32, #tpu.memory_space<hbm>>) target(%arg6 : memref<6400xi32, #tpu.memory_space<vmem>>) target_semaphore(%run_scoped3A : memref<!tpu.dma_semaphore, #tpu.memory_space<semaphore_mem>>)
      %dma_wait3A_326 = tpu.memref_slice %arg2[%add3A_268] : memref<819200xi32, #tpu.memory_space<hbm>> -> memref<6400xi32, #tpu.memory_space<hbm>>
      %dma_wait3A_327 = tpu.memref_slice %arg2[%add3A_268] : memref<819200xi32, #tpu.memory_space<hbm>> -> memref<6400xi32, #tpu.memory_space<hbm>>
      tpu.wait_dma2 semaphore(%run_scoped3A : memref<!tpu.dma_semaphore, #tpu.memory_space<semaphore_mem>>) src(%dma_wait3A_327 : memref<6400xi32, #tpu.memory_space<hbm>>) dst(%arg6 : memref<6400xi32, #tpu.memory_space<vmem>>)
      tpu.yield
    }) : () -> ()
    %parallel_loop3A_269 = arith.constant 0 : i32
    %parallel_loop3A_270 = arith.constant 200 : i32
    %parallel_loop3A_271 = arith.constant 1 : i32
    scf.for %parallel_loop3A_324 = %parallel_loop3A_269 to %parallel_loop3A_270 step %parallel_loop3A_271  : i32 {
      %parallel_loop3A_325 = arith.constant 0 : i32
      %parallel_loop3A_326 = vector.broadcast %parallel_loop3A_325 : i32 to vector<16xi32>
      %parallel_loop3A_327 = arith.addi %mul3A_244, %parallel_loop3A_326 : vector<16xi32>
      %parallel_loop3A_328 = vector.broadcast %parallel_loop3A_324 : i32 to vector<16xi32>
      %parallel_loop3A_329 = arith.addi %parallel_loop3A_327, %parallel_loop3A_328 : vector<16xi32>
      %parallel_loop3A_330 = tpu.vector_load_idx %arg6[%parallel_loop3A_329] : memref<6400xi32, #tpu.memory_space<vmem>>[vector<16xi32>], vector<16xi32>,
      %parallel_loop3A_331 = arith.index_cast %parallel_loop3A_324 : i32 to index
      %parallel_loop3A_332 = arith.constant 96 : index
      %parallel_loop3A_333 = tpu.vector_load %arg7[%parallel_loop3A_331, %parallel_loop3A_332] {strides = array<i32>} : memref<200x128xi32, #tpu.memory_space<vmem>>, vector<16xi32>,
      tpu.vector_store %arg7[%parallel_loop3A_331, %parallel_loop3A_332], %parallel_loop3A_330 {strides = array<i32>} : memref<200x128xi32, #tpu.memory_space<vmem>>, vector<16xi32>,
      %parallel_loop3A_334 = arith.constant 3200 : i32
      %parallel_loop3A_335 = vector.broadcast %parallel_loop3A_334 : i32 to vector<16xi32>
      %parallel_loop3A_336 = arith.addi %mul3A_244, %parallel_loop3A_335 : vector<16xi32>
      %parallel_loop3A_337 = vector.broadcast %parallel_loop3A_324 : i32 to vector<16xi32>
      %parallel_loop3A_338 = arith.addi %parallel_loop3A_336, %parallel_loop3A_337 : vector<16xi32>
      %parallel_loop3A_339 = tpu.vector_load_idx %arg6[%parallel_loop3A_338] : memref<6400xi32, #tpu.memory_space<vmem>>[vector<16xi32>], vector<16xi32>,
      %parallel_loop3A_340 = arith.index_cast %parallel_loop3A_324 : i32 to index
      %parallel_loop3A_341 = arith.constant 112 : index
      %parallel_loop3A_342 = tpu.vector_load %arg7[%parallel_loop3A_340, %parallel_loop3A_341] {strides = array<i32>} : memref<200x128xi32, #tpu.memory_space<vmem>>, vector<16xi32>,
      tpu.vector_store %arg7[%parallel_loop3A_340, %parallel_loop3A_341], %parallel_loop3A_339 {strides = array<i32>} : memref<200x128xi32, #tpu.memory_space<vmem>>, vector<16xi32>,
    } {sc.loop_unroll_factor = 1 : i64, sc.parallel_access}
    %dma_start3A = arith.constant 0 : i32
    %dma_start3A_272 = arith.constant 0 : i32
    %dma_start3A_273 = tpu.memref_slice %arg7[%dma_start3A, %dma_start3A_272] : memref<200x128xi32, #tpu.memory_space<vmem>> -> memref<1x128xi32, #tpu.memory_space<vmem>>
    %dma_start3A_274 = tpu.memref_squeeze %dma_start3A_273 : memref<1x128xi32, #tpu.memory_space<vmem>> -> memref<128xi32, #tpu.memory_space<vmem>>
    %dma_start3A_275 = arith.constant 0 : i32
    %dma_start3A_276 = arith.constant 0 : i32
    %dma_start3A_277 = tpu.memref_slice %arg5[%dma_start3A_275, %dma_start3A_276] : memref<1000x64xf32, #tpu.memory_space<vmem_shared>> -> memref<1000x64xf32, #tpu.memory_space<vmem_shared>>
    tpu.enqueue_indirect_dma source(%dma_start3A_277 : memref<1000x64xf32, #tpu.memory_space<vmem_shared>>) target(%arg8 : memref<128x64xf32, #tpu.memory_space<vmem>>) offsets(%dma_start3A_274 : memref<128xi32, #tpu.memory_space<vmem>>) semaphore(%arg12 : memref<!tpu.dma_semaphore, #tpu.memory_space<semaphore_mem>>)
    %dma_start3A_278 = arith.constant 1 : i32
    %dma_start3A_279 = arith.constant 0 : i32
    %dma_start3A_280 = tpu.memref_slice %arg7[%dma_start3A_278, %dma_start3A_279] : memref<200x128xi32, #tpu.memory_space<vmem>> -> memref<1x128xi32, #tpu.memory_space<vmem>>
    %dma_start3A_281 = tpu.memref_squeeze %dma_start3A_280 : memref<1x128xi32, #tpu.memory_space<vmem>> -> memref<128xi32, #tpu.memory_space<vmem>>
    %dma_start3A_282 = arith.constant 0 : i32
    %dma_start3A_283 = arith.constant 0 : i32
    %dma_start3A_284 = tpu.memref_slice %arg5[%dma_start3A_282, %dma_start3A_283] : memref<1000x64xf32, #tpu.memory_space<vmem_shared>> -> memref<1000x64xf32, #tpu.memory_space<vmem_shared>>
    tpu.enqueue_indirect_dma source(%dma_start3A_284 : memref<1000x64xf32, #tpu.memory_space<vmem_shared>>) target(%arg9 : memref<128x64xf32, #tpu.memory_space<vmem>>) offsets(%dma_start3A_281 : memref<128xi32, #tpu.memory_space<vmem>>) semaphore(%arg13 : memref<!tpu.dma_semaphore, #tpu.memory_space<semaphore_mem>>)
    %scan3A = arith.constant 0 : i32
    %scan3A_285 = arith.constant 100 : i32
    %scan3A_286 = arith.addi %scan3A, %scan3A_285 : i32
    %scan3A_287 = arith.constant 1 : i32
    scf.for %scan3A_324 = %scan3A to %scan3A_286 step %scan3A_287  : i32 {
      %mul3A_325 = arith.constant 2 : i32
      %mul3A_326 = arith.muli %scan3A_324, %mul3A_325 : i32
      %add3A_327 = arith.constant 0 : i32
      %add3A_328 = arith.addi %add3A_327, %mul3A_326 : i32
      %dma_wait3A_329 = arith.constant 0 : i32
      %dma_wait3A_330 = arith.constant 0 : i32
      %dma_wait3A_331 = tpu.memref_slice %arg7[%dma_wait3A_329, %dma_wait3A_330] : memref<200x128xi32, #tpu.memory_space<vmem>> -> memref<1x128xi32, #tpu.memory_space<vmem>>
      %dma_wait3A_332 = tpu.memref_squeeze %dma_wait3A_331 : memref<1x128xi32, #tpu.memory_space<vmem>> -> memref<128xi32, #tpu.memory_space<vmem>>
      %dma_wait3A_333 = arith.constant 0 : i32
      %dma_wait3A_334 = arith.constant 0 : i32
      %dma_wait3A_335 = tpu.memref_slice %arg5[%dma_wait3A_333, %dma_wait3A_334] : memref<1000x64xf32, #tpu.memory_space<vmem_shared>> -> memref<1000x64xf32, #tpu.memory_space<vmem_shared>>
      tpu.wait_indirect_dma semaphore(%arg12 : memref<!tpu.dma_semaphore, #tpu.memory_space<semaphore_mem>>) src(%dma_wait3A_335 : memref<1000x64xf32, #tpu.memory_space<vmem_shared>>) dst(%arg8 : memref<128x64xf32, #tpu.memory_space<vmem>>)
      %ge3A = arith.constant 2 : i32
      %ge3A_336 = arith.cmpi sge, %add3A_328, %ge3A : i32
      %convert_element_type3A_337 = arith.extui %ge3A_336 : i1 to i32
      %cond3A_338 = arith.constant 0 : i32
      %cond3A_339 = arith.cmpi ne, %convert_element_type3A_337, %cond3A_338 : i32
      scf.if %cond3A_339 {
        %dma_wait3A_410 = arith.constant 0 : i32
        %dma_wait3A_411 = arith.constant 0 : i32
        %dma_wait3A_412 = arith.constant 0 : i32
        %dma_wait3A_413 = tpu.memref_slice %arg10[%dma_wait3A_410, %dma_wait3A_411, %dma_wait3A_412] : memref<8x8x129xf32, #tpu.memory_space<vmem>> -> memref<8x8x128xf32, #tpu.memory_space<vmem>>
        %dma_wait3A_414 = arith.constant 0 : i32
        %dma_wait3A_415 = arith.constant 0 : i32
        %dma_wait3A_416 = arith.constant 0 : i32
        %dma_wait3A_417 = tpu.memref_slice %arg4[%dma_wait3A_414, %add3A, %dma_wait3A_415, %dma_wait3A_416] : memref<1600x32x8x128xf32, #tpu.memory_space<hbm>> -> memref<8x1x8x128xf32, #tpu.memory_space<hbm>>
        %dma_wait3A_418 = tpu.memref_squeeze %dma_wait3A_417 : memref<8x1x8x128xf32, #tpu.memory_space<hbm>> -> memref<8x8x128xf32, #tpu.memory_space<hbm>>
        %dma_wait3A_419 = arith.constant 0 : i32
        %dma_wait3A_420 = arith.constant 0 : i32
        %dma_wait3A_421 = arith.constant 0 : i32
        %dma_wait3A_422 = tpu.memref_slice %arg4[%dma_wait3A_419, %add3A, %dma_wait3A_420, %dma_wait3A_421] : memref<1600x32x8x128xf32, #tpu.memory_space<hbm>> -> memref<8x1x8x128xf32, #tpu.memory_space<hbm>>
        %dma_wait3A_423 = tpu.memref_squeeze %dma_wait3A_422 : memref<8x1x8x128xf32, #tpu.memory_space<hbm>> -> memref<8x8x128xf32, #tpu.memory_space<hbm>>
        %dma_wait3A_424 = arith.constant 0 : i32
        %dma_wait3A_425 = arith.constant 0 : i32
        %dma_wait3A_426 = arith.constant 0 : i32
        %dma_wait3A_427 = tpu.memref_slice %arg10[%dma_wait3A_424, %dma_wait3A_425, %dma_wait3A_426] : memref<8x8x129xf32, #tpu.memory_space<vmem>> -> memref<8x8x128xf32, #tpu.memory_space<vmem>>
        tpu.wait_dma2 semaphore(%arg14 : memref<!tpu.dma_semaphore, #tpu.memory_space<semaphore_mem>>) src(%dma_wait3A_427 : memref<8x8x128xf32, #tpu.memory_space<vmem>>) dst(%dma_wait3A_423 : memref<8x8x128xf32, #tpu.memory_space<hbm>>)
      } else {
      }
      %parallel_loop3A_340 = arith.constant 0 : i32
      %parallel_loop3A_341 = arith.constant 128 : i32
      %parallel_loop3A_342 = arith.constant 2 : i32
      scf.for %parallel_loop3A_410 = %parallel_loop3A_340 to %parallel_loop3A_341 step %parallel_loop3A_342  : i32 {
        %parallel_loop3A_411 = arith.constant 0 : i32
        %parallel_loop3A_412 = arith.addi %parallel_loop3A_410, %parallel_loop3A_411 : i32
        %parallel_loop3A_413 = vector.broadcast %parallel_loop3A_412 : i32 to vector<16xi32>
        %parallel_loop3A_414 = arith.index_cast %parallel_loop3A_412 : i32 to index
        %parallel_loop3A_415 = arith.constant 0 : index
        %parallel_loop3A_416 = tpu.vector_load %arg8[%parallel_loop3A_414, %parallel_loop3A_415] {strides = array<i32>} : memref<128x64xf32, #tpu.memory_space<vmem>>, vector<16xf32>,
        tpu.vector_store_idx %arg10[%select_n3A, %select_n3A_166, %parallel_loop3A_413], %parallel_loop3A_416 : memref<8x8x129xf32, #tpu.memory_space<vmem>>[vector<16xi32>, vector<16xi32>, vector<16xi32>], vector<16xf32>,
        %parallel_loop3A_417 = arith.index_cast %parallel_loop3A_412 : i32 to index
        %parallel_loop3A_418 = arith.constant 16 : index
        %parallel_loop3A_419 = tpu.vector_load %arg8[%parallel_loop3A_417, %parallel_loop3A_418] {strides = array<i32>} : memref<128x64xf32, #tpu.memory_space<vmem>>, vector<16xf32>,
        tpu.vector_store_idx %arg10[%select_n3A_74, %select_n3A_191, %parallel_loop3A_413], %parallel_loop3A_419 : memref<8x8x129xf32, #tpu.memory_space<vmem>>[vector<16xi32>, vector<16xi32>, vector<16xi32>], vector<16xf32>,
        %parallel_loop3A_420 = arith.index_cast %parallel_loop3A_412 : i32 to index
        %parallel_loop3A_421 = arith.constant 32 : index
        %parallel_loop3A_422 = tpu.vector_load %arg8[%parallel_loop3A_420, %parallel_loop3A_421] {strides = array<i32>} : memref<128x64xf32, #tpu.memory_space<vmem>>, vector<16xf32>,
        tpu.vector_store_idx %arg10[%select_n3A_108, %select_n3A_216, %parallel_loop3A_413], %parallel_loop3A_422 : memref<8x8x129xf32, #tpu.memory_space<vmem>>[vector<16xi32>, vector<16xi32>, vector<16xi32>], vector<16xf32>,
        %parallel_loop3A_423 = arith.index_cast %parallel_loop3A_412 : i32 to index
        %parallel_loop3A_424 = arith.constant 48 : index
        %parallel_loop3A_425 = tpu.vector_load %arg8[%parallel_loop3A_423, %parallel_loop3A_424] {strides = array<i32>} : memref<128x64xf32, #tpu.memory_space<vmem>>, vector<16xf32>,
        tpu.vector_store_idx %arg10[%select_n3A_142, %select_n3A_241, %parallel_loop3A_413], %parallel_loop3A_425 : memref<8x8x129xf32, #tpu.memory_space<vmem>>[vector<16xi32>, vector<16xi32>, vector<16xi32>], vector<16xf32>,
        %parallel_loop3A_426 = arith.constant 1 : i32
        %parallel_loop3A_427 = arith.addi %parallel_loop3A_410, %parallel_loop3A_426 : i32
        %parallel_loop3A_428 = vector.broadcast %parallel_loop3A_427 : i32 to vector<16xi32>
        %parallel_loop3A_429 = arith.index_cast %parallel_loop3A_427 : i32 to index
        %parallel_loop3A_430 = arith.constant 0 : index
        %parallel_loop3A_431 = tpu.vector_load %arg8[%parallel_loop3A_429, %parallel_loop3A_430] {strides = array<i32>} : memref<128x64xf32, #tpu.memory_space<vmem>>, vector<16xf32>,
        tpu.vector_store_idx %arg10[%select_n3A, %select_n3A_166, %parallel_loop3A_428], %parallel_loop3A_431 : memref<8x8x129xf32, #tpu.memory_space<vmem>>[vector<16xi32>, vector<16xi32>, vector<16xi32>], vector<16xf32>,
        %parallel_loop3A_432 = arith.index_cast %parallel_loop3A_427 : i32 to index
        %parallel_loop3A_433 = arith.constant 16 : index
        %parallel_loop3A_434 = tpu.vector_load %arg8[%parallel_loop3A_432, %parallel_loop3A_433] {strides = array<i32>} : memref<128x64xf32, #tpu.memory_space<vmem>>, vector<16xf32>,
        tpu.vector_store_idx %arg10[%select_n3A_74, %select_n3A_191, %parallel_loop3A_428], %parallel_loop3A_434 : memref<8x8x129xf32, #tpu.memory_space<vmem>>[vector<16xi32>, vector<16xi32>, vector<16xi32>], vector<16xf32>,
        %parallel_loop3A_435 = arith.index_cast %parallel_loop3A_427 : i32 to index
        %parallel_loop3A_436 = arith.constant 32 : index
        %parallel_loop3A_437 = tpu.vector_load %arg8[%parallel_loop3A_435, %parallel_loop3A_436] {strides = array<i32>} : memref<128x64xf32, #tpu.memory_space<vmem>>, vector<16xf32>,
        tpu.vector_store_idx %arg10[%select_n3A_108, %select_n3A_216, %parallel_loop3A_428], %parallel_loop3A_437 : memref<8x8x129xf32, #tpu.memory_space<vmem>>[vector<16xi32>, vector<16xi32>, vector<16xi32>], vector<16xf32>,
        %parallel_loop3A_438 = arith.index_cast %parallel_loop3A_427 : i32 to index
        %parallel_loop3A_439 = arith.constant 48 : index
        %parallel_loop3A_440 = tpu.vector_load %arg8[%parallel_loop3A_438, %parallel_loop3A_439] {strides = array<i32>} : memref<128x64xf32, #tpu.memory_space<vmem>>, vector<16xf32>,
        tpu.vector_store_idx %arg10[%select_n3A_142, %select_n3A_241, %parallel_loop3A_428], %parallel_loop3A_440 : memref<8x8x129xf32, #tpu.memory_space<vmem>>[vector<16xi32>, vector<16xi32>, vector<16xi32>], vector<16xf32>,
      } {sc.loop_unroll_factor = 1 : i64, sc.parallel_access}
      %add3A_343 = arith.constant 2 : i32
      %add3A_344 = arith.addi %add3A_328, %add3A_343 : i32
      %lt3A_345 = arith.constant 200 : i32
      %lt3A_346 = arith.cmpi slt, %add3A_344, %lt3A_345 : i32
      %convert_element_type3A_347 = arith.extui %lt3A_346 : i1 to i32
      %cond3A_348 = arith.constant 0 : i32
      %cond3A_349 = arith.cmpi ne, %convert_element_type3A_347, %cond3A_348 : i32
      scf.if %cond3A_349 {
        %add3A_410 = arith.constant 2 : i32
        %add3A_411 = arith.addi %add3A_328, %add3A_410 : i32
        %dma_start3A_412 = arith.constant 0 : i32
        %dma_start3A_413 = tpu.memref_slice %arg7[%add3A_411, %dma_start3A_412] : memref<200x128xi32, #tpu.memory_space<vmem>> -> memref<1x128xi32, #tpu.memory_space<vmem>>
        %dma_start3A_414 = tpu.memref_squeeze %dma_start3A_413 : memref<1x128xi32, #tpu.memory_space<vmem>> -> memref<128xi32, #tpu.memory_space<vmem>>
        %dma_start3A_415 = arith.constant 0 : i32
        %dma_start3A_416 = arith.constant 0 : i32
        %dma_start3A_417 = tpu.memref_slice %arg5[%dma_start3A_415, %dma_start3A_416] : memref<1000x64xf32, #tpu.memory_space<vmem_shared>> -> memref<1000x64xf32, #tpu.memory_space<vmem_shared>>
        tpu.enqueue_indirect_dma source(%dma_start3A_417 : memref<1000x64xf32, #tpu.memory_space<vmem_shared>>) target(%arg8 : memref<128x64xf32, #tpu.memory_space<vmem>>) offsets(%dma_start3A_414 : memref<128xi32, #tpu.memory_space<vmem>>) semaphore(%arg12 : memref<!tpu.dma_semaphore, #tpu.memory_space<semaphore_mem>>)
      } else {
      }
      %mul3A_350 = arith.constant 8 : i32
      %mul3A_351 = arith.muli %add3A_328, %mul3A_350 : i32
      %dma_start3A_352 = arith.constant 0 : i32
      %dma_start3A_353 = arith.constant 0 : i32
      %dma_start3A_354 = arith.constant 0 : i32
      %dma_start3A_355 = tpu.memref_slice %arg10[%dma_start3A_352, %dma_start3A_353, %dma_start3A_354] : memref<8x8x129xf32, #tpu.memory_space<vmem>> -> memref<8x8x128xf32, #tpu.memory_space<vmem>>
      %dma_start3A_356 = arith.constant 0 : i32
      %dma_start3A_357 = arith.constant 0 : i32
      %dma_start3A_358 = tpu.memref_slice %arg4[%mul3A_351, %add3A, %dma_start3A_356, %dma_start3A_357] : memref<1600x32x8x128xf32, #tpu.memory_space<hbm>> -> memref<8x1x8x128xf32, #tpu.memory_space<hbm>>
      %dma_start3A_359 = tpu.memref_squeeze %dma_start3A_358 : memref<8x1x8x128xf32, #tpu.memory_space<hbm>> -> memref<8x8x128xf32, #tpu.memory_space<hbm>>
      %dma_start3A_360 = arith.constant 0 : i32
      %dma_start3A_361 = arith.constant 0 : i32
      %dma_start3A_362 = tpu.memref_slice %arg4[%mul3A_351, %add3A, %dma_start3A_360, %dma_start3A_361] : memref<1600x32x8x128xf32, #tpu.memory_space<hbm>> -> memref<8x1x8x128xf32, #tpu.memory_space<hbm>>
      %dma_start3A_363 = tpu.memref_squeeze %dma_start3A_362 : memref<8x1x8x128xf32, #tpu.memory_space<hbm>> -> memref<8x8x128xf32, #tpu.memory_space<hbm>>
      %dma_start3A_364 = arith.constant 0 : i32
      %dma_start3A_365 = arith.constant 0 : i32
      %dma_start3A_366 = arith.constant 0 : i32
      %dma_start3A_367 = tpu.memref_slice %arg10[%dma_start3A_364, %dma_start3A_365, %dma_start3A_366] : memref<8x8x129xf32, #tpu.memory_space<vmem>> -> memref<8x8x128xf32, #tpu.memory_space<vmem>>
      tpu.enqueue_dma source(%dma_start3A_367 : memref<8x8x128xf32, #tpu.memory_space<vmem>>) target(%dma_start3A_363 : memref<8x8x128xf32, #tpu.memory_space<hbm>>) target_semaphore(%arg14 : memref<!tpu.dma_semaphore, #tpu.memory_space<semaphore_mem>>)
      %dma_wait3A_368 = arith.constant 0 : i32
      %dma_wait3A_369 = arith.constant 0 : i32
      %dma_wait3A_370 = tpu.memref_slice %arg7[%dma_wait3A_368, %dma_wait3A_369] : memref<200x128xi32, #tpu.memory_space<vmem>> -> memref<1x128xi32, #tpu.memory_space<vmem>>
      %dma_wait3A_371 = tpu.memref_squeeze %dma_wait3A_370 : memref<1x128xi32, #tpu.memory_space<vmem>> -> memref<128xi32, #tpu.memory_space<vmem>>
      %dma_wait3A_372 = arith.constant 0 : i32
      %dma_wait3A_373 = arith.constant 0 : i32
      %dma_wait3A_374 = tpu.memref_slice %arg5[%dma_wait3A_372, %dma_wait3A_373] : memref<1000x64xf32, #tpu.memory_space<vmem_shared>> -> memref<1000x64xf32, #tpu.memory_space<vmem_shared>>
      tpu.wait_indirect_dma semaphore(%arg13 : memref<!tpu.dma_semaphore, #tpu.memory_space<semaphore_mem>>) src(%dma_wait3A_374 : memref<1000x64xf32, #tpu.memory_space<vmem_shared>>) dst(%arg9 : memref<128x64xf32, #tpu.memory_space<vmem>>)
      %ge3A_375 = arith.constant 2 : i32
      %ge3A_376 = arith.cmpi sge, %add3A_328, %ge3A_375 : i32
      %convert_element_type3A_377 = arith.extui %ge3A_376 : i1 to i32
      %cond3A_378 = arith.constant 0 : i32
      %cond3A_379 = arith.cmpi ne, %convert_element_type3A_377, %cond3A_378 : i32
      scf.if %cond3A_379 {
        %dma_wait3A_410 = arith.constant 0 : i32
        %dma_wait3A_411 = arith.constant 0 : i32
        %dma_wait3A_412 = arith.constant 0 : i32
        %dma_wait3A_413 = tpu.memref_slice %arg11[%dma_wait3A_410, %dma_wait3A_411, %dma_wait3A_412] : memref<8x8x129xf32, #tpu.memory_space<vmem>> -> memref<8x8x128xf32, #tpu.memory_space<vmem>>
        %dma_wait3A_414 = arith.constant 0 : i32
        %dma_wait3A_415 = arith.constant 0 : i32
        %dma_wait3A_416 = arith.constant 0 : i32
        %dma_wait3A_417 = tpu.memref_slice %arg4[%dma_wait3A_414, %add3A, %dma_wait3A_415, %dma_wait3A_416] : memref<1600x32x8x128xf32, #tpu.memory_space<hbm>> -> memref<8x1x8x128xf32, #tpu.memory_space<hbm>>
        %dma_wait3A_418 = tpu.memref_squeeze %dma_wait3A_417 : memref<8x1x8x128xf32, #tpu.memory_space<hbm>> -> memref<8x8x128xf32, #tpu.memory_space<hbm>>
        %dma_wait3A_419 = arith.constant 0 : i32
        %dma_wait3A_420 = arith.constant 0 : i32
        %dma_wait3A_421 = arith.constant 0 : i32
        %dma_wait3A_422 = tpu.memref_slice %arg4[%dma_wait3A_419, %add3A, %dma_wait3A_420, %dma_wait3A_421] : memref<1600x32x8x128xf32, #tpu.memory_space<hbm>> -> memref<8x1x8x128xf32, #tpu.memory_space<hbm>>
        %dma_wait3A_423 = tpu.memref_squeeze %dma_wait3A_422 : memref<8x1x8x128xf32, #tpu.memory_space<hbm>> -> memref<8x8x128xf32, #tpu.memory_space<hbm>>
        %dma_wait3A_424 = arith.constant 0 : i32
        %dma_wait3A_425 = arith.constant 0 : i32
        %dma_wait3A_426 = arith.constant 0 : i32
        %dma_wait3A_427 = tpu.memref_slice %arg11[%dma_wait3A_424, %dma_wait3A_425, %dma_wait3A_426] : memref<8x8x129xf32, #tpu.memory_space<vmem>> -> memref<8x8x128xf32, #tpu.memory_space<vmem>>
        tpu.wait_dma2 semaphore(%arg15 : memref<!tpu.dma_semaphore, #tpu.memory_space<semaphore_mem>>) src(%dma_wait3A_427 : memref<8x8x128xf32, #tpu.memory_space<vmem>>) dst(%dma_wait3A_423 : memref<8x8x128xf32, #tpu.memory_space<hbm>>)
      } else {
      }
      %parallel_loop3A_380 = arith.constant 0 : i32
      %parallel_loop3A_381 = arith.constant 128 : i32
      %parallel_loop3A_382 = arith.constant 2 : i32
      scf.for %parallel_loop3A_410 = %parallel_loop3A_380 to %parallel_loop3A_381 step %parallel_loop3A_382  : i32 {
        %parallel_loop3A_411 = arith.constant 0 : i32
        %parallel_loop3A_412 = arith.addi %parallel_loop3A_410, %parallel_loop3A_411 : i32
        %parallel_loop3A_413 = vector.broadcast %parallel_loop3A_412 : i32 to vector<16xi32>
        %parallel_loop3A_414 = arith.index_cast %parallel_loop3A_412 : i32 to index
        %parallel_loop3A_415 = arith.constant 0 : index
        %parallel_loop3A_416 = tpu.vector_load %arg9[%parallel_loop3A_414, %parallel_loop3A_415] {strides = array<i32>} : memref<128x64xf32, #tpu.memory_space<vmem>>, vector<16xf32>,
        tpu.vector_store_idx %arg11[%select_n3A, %select_n3A_166, %parallel_loop3A_413], %parallel_loop3A_416 : memref<8x8x129xf32, #tpu.memory_space<vmem>>[vector<16xi32>, vector<16xi32>, vector<16xi32>], vector<16xf32>,
        %parallel_loop3A_417 = arith.index_cast %parallel_loop3A_412 : i32 to index
        %parallel_loop3A_418 = arith.constant 16 : index
        %parallel_loop3A_419 = tpu.vector_load %arg9[%parallel_loop3A_417, %parallel_loop3A_418] {strides = array<i32>} : memref<128x64xf32, #tpu.memory_space<vmem>>, vector<16xf32>,
        tpu.vector_store_idx %arg11[%select_n3A_74, %select_n3A_191, %parallel_loop3A_413], %parallel_loop3A_419 : memref<8x8x129xf32, #tpu.memory_space<vmem>>[vector<16xi32>, vector<16xi32>, vector<16xi32>], vector<16xf32>,
        %parallel_loop3A_420 = arith.index_cast %parallel_loop3A_412 : i32 to index
        %parallel_loop3A_421 = arith.constant 32 : index
        %parallel_loop3A_422 = tpu.vector_load %arg9[%parallel_loop3A_420, %parallel_loop3A_421] {strides = array<i32>} : memref<128x64xf32, #tpu.memory_space<vmem>>, vector<16xf32>,
        tpu.vector_store_idx %arg11[%select_n3A_108, %select_n3A_216, %parallel_loop3A_413], %parallel_loop3A_422 : memref<8x8x129xf32, #tpu.memory_space<vmem>>[vector<16xi32>, vector<16xi32>, vector<16xi32>], vector<16xf32>,
        %parallel_loop3A_423 = arith.index_cast %parallel_loop3A_412 : i32 to index
        %parallel_loop3A_424 = arith.constant 48 : index
        %parallel_loop3A_425 = tpu.vector_load %arg9[%parallel_loop3A_423, %parallel_loop3A_424] {strides = array<i32>} : memref<128x64xf32, #tpu.memory_space<vmem>>, vector<16xf32>,
        tpu.vector_store_idx %arg11[%select_n3A_142, %select_n3A_241, %parallel_loop3A_413], %parallel_loop3A_425 : memref<8x8x129xf32, #tpu.memory_space<vmem>>[vector<16xi32>, vector<16xi32>, vector<16xi32>], vector<16xf32>,
        %parallel_loop3A_426 = arith.constant 1 : i32
        %parallel_loop3A_427 = arith.addi %parallel_loop3A_410, %parallel_loop3A_426 : i32
        %parallel_loop3A_428 = vector.broadcast %parallel_loop3A_427 : i32 to vector<16xi32>
        %parallel_loop3A_429 = arith.index_cast %parallel_loop3A_427 : i32 to index
        %parallel_loop3A_430 = arith.constant 0 : index
        %parallel_loop3A_431 = tpu.vector_load %arg9[%parallel_loop3A_429, %parallel_loop3A_430] {strides = array<i32>} : memref<128x64xf32, #tpu.memory_space<vmem>>, vector<16xf32>,
        tpu.vector_store_idx %arg11[%select_n3A, %select_n3A_166, %parallel_loop3A_428], %parallel_loop3A_431 : memref<8x8x129xf32, #tpu.memory_space<vmem>>[vector<16xi32>, vector<16xi32>, vector<16xi32>], vector<16xf32>,
        %parallel_loop3A_432 = arith.index_cast %parallel_loop3A_427 : i32 to index
        %parallel_loop3A_433 = arith.constant 16 : index
        %parallel_loop3A_434 = tpu.vector_load %arg9[%parallel_loop3A_432, %parallel_loop3A_433] {strides = array<i32>} : memref<128x64xf32, #tpu.memory_space<vmem>>, vector<16xf32>,
        tpu.vector_store_idx %arg11[%select_n3A_74, %select_n3A_191, %parallel_loop3A_428], %parallel_loop3A_434 : memref<8x8x129xf32, #tpu.memory_space<vmem>>[vector<16xi32>, vector<16xi32>, vector<16xi32>], vector<16xf32>,
        %parallel_loop3A_435 = arith.index_cast %parallel_loop3A_427 : i32 to index
        %parallel_loop3A_436 = arith.constant 32 : index
        %parallel_loop3A_437 = tpu.vector_load %arg9[%parallel_loop3A_435, %parallel_loop3A_436] {strides = array<i32>} : memref<128x64xf32, #tpu.memory_space<vmem>>, vector<16xf32>,
        tpu.vector_store_idx %arg11[%select_n3A_108, %select_n3A_216, %parallel_loop3A_428], %parallel_loop3A_437 : memref<8x8x129xf32, #tpu.memory_space<vmem>>[vector<16xi32>, vector<16xi32>, vector<16xi32>], vector<16xf32>,
        %parallel_loop3A_438 = arith.index_cast %parallel_loop3A_427 : i32 to index
        %parallel_loop3A_439 = arith.constant 48 : index
        %parallel_loop3A_440 = tpu.vector_load %arg9[%parallel_loop3A_438, %parallel_loop3A_439] {strides = array<i32>} : memref<128x64xf32, #tpu.memory_space<vmem>>, vector<16xf32>,
        tpu.vector_store_idx %arg11[%select_n3A_142, %select_n3A_241, %parallel_loop3A_428], %parallel_loop3A_440 : memref<8x8x129xf32, #tpu.memory_space<vmem>>[vector<16xi32>, vector<16xi32>, vector<16xi32>], vector<16xf32>,
      } {sc.loop_unroll_factor = 1 : i64, sc.parallel_access}
      %add3A_383 = arith.constant 3 : i32
      %add3A_384 = arith.addi %add3A_328, %add3A_383 : i32
      %lt3A_385 = arith.constant 200 : i32
      %lt3A_386 = arith.cmpi slt, %add3A_384, %lt3A_385 : i32
      %convert_element_type3A_387 = arith.extui %lt3A_386 : i1 to i32
      %cond3A_388 = arith.constant 0 : i32
      %cond3A_389 = arith.cmpi ne, %convert_element_type3A_387, %cond3A_388 : i32
      scf.if %cond3A_389 {
        %add3A_410 = arith.constant 3 : i32
        %add3A_411 = arith.addi %add3A_328, %add3A_410 : i32
        %dma_start3A_412 = arith.constant 0 : i32
        %dma_start3A_413 = tpu.memref_slice %arg7[%add3A_411, %dma_start3A_412] : memref<200x128xi32, #tpu.memory_space<vmem>> -> memref<1x128xi32, #tpu.memory_space<vmem>>
        %dma_start3A_414 = tpu.memref_squeeze %dma_start3A_413 : memref<1x128xi32, #tpu.memory_space<vmem>> -> memref<128xi32, #tpu.memory_space<vmem>>
        %dma_start3A_415 = arith.constant 0 : i32
        %dma_start3A_416 = arith.constant 0 : i32
        %dma_start3A_417 = tpu.memref_slice %arg5[%dma_start3A_415, %dma_start3A_416] : memref<1000x64xf32, #tpu.memory_space<vmem_shared>> -> memref<1000x64xf32, #tpu.memory_space<vmem_shared>>
        tpu.enqueue_indirect_dma source(%dma_start3A_417 : memref<1000x64xf32, #tpu.memory_space<vmem_shared>>) target(%arg9 : memref<128x64xf32, #tpu.memory_space<vmem>>) offsets(%dma_start3A_414 : memref<128xi32, #tpu.memory_space<vmem>>) semaphore(%arg13 : memref<!tpu.dma_semaphore, #tpu.memory_space<semaphore_mem>>)
      } else {
      }
      %add3A_390 = arith.constant 1 : i32
      %add3A_391 = arith.addi %add3A_328, %add3A_390 : i32
      %mul3A_392 = arith.constant 8 : i32
      %mul3A_393 = arith.muli %add3A_391, %mul3A_392 : i32
      %dma_start3A_394 = arith.constant 0 : i32
      %dma_start3A_395 = arith.constant 0 : i32
      %dma_start3A_396 = arith.constant 0 : i32
      %dma_start3A_397 = tpu.memref_slice %arg11[%dma_start3A_394, %dma_start3A_395, %dma_start3A_396] : memref<8x8x129xf32, #tpu.memory_space<vmem>> -> memref<8x8x128xf32, #tpu.memory_space<vmem>>
      %dma_start3A_398 = arith.constant 0 : i32
      %dma_start3A_399 = arith.constant 0 : i32
      %dma_start3A_400 = tpu.memref_slice %arg4[%mul3A_393, %add3A, %dma_start3A_398, %dma_start3A_399] : memref<1600x32x8x128xf32, #tpu.memory_space<hbm>> -> memref<8x1x8x128xf32, #tpu.memory_space<hbm>>
      %dma_start3A_401 = tpu.memref_squeeze %dma_start3A_400 : memref<8x1x8x128xf32, #tpu.memory_space<hbm>> -> memref<8x8x128xf32, #tpu.memory_space<hbm>>
      %dma_start3A_402 = arith.constant 0 : i32
      %dma_start3A_403 = arith.constant 0 : i32
      %dma_start3A_404 = tpu.memref_slice %arg4[%mul3A_393, %add3A, %dma_start3A_402, %dma_start3A_403] : memref<1600x32x8x128xf32, #tpu.memory_space<hbm>> -> memref<8x1x8x128xf32, #tpu.memory_space<hbm>>
      %dma_start3A_405 = tpu.memref_squeeze %dma_start3A_404 : memref<8x1x8x128xf32, #tpu.memory_space<hbm>> -> memref<8x8x128xf32, #tpu.memory_space<hbm>>
      %dma_start3A_406 = arith.constant 0 : i32
      %dma_start3A_407 = arith.constant 0 : i32
      %dma_start3A_408 = arith.constant 0 : i32
      %dma_start3A_409 = tpu.memref_slice %arg11[%dma_start3A_406, %dma_start3A_407, %dma_start3A_408] : memref<8x8x129xf32, #tpu.memory_space<vmem>> -> memref<8x8x128xf32, #tpu.memory_space<vmem>>
      tpu.enqueue_dma source(%dma_start3A_409 : memref<8x8x128xf32, #tpu.memory_space<vmem>>) target(%dma_start3A_405 : memref<8x8x128xf32, #tpu.memory_space<hbm>>) target_semaphore(%arg15 : memref<!tpu.dma_semaphore, #tpu.memory_space<semaphore_mem>>)
    }
    %scan3A_288 = arith.constant 100 : i32
    %dma_wait3A = arith.constant 0 : i32
    %dma_wait3A_289 = arith.constant 0 : i32
    %dma_wait3A_290 = arith.constant 0 : i32
    %dma_wait3A_291 = tpu.memref_slice %arg10[%dma_wait3A, %dma_wait3A_289, %dma_wait3A_290] : memref<8x8x129xf32, #tpu.memory_space<vmem>> -> memref<8x8x128xf32, #tpu.memory_space<vmem>>
    %dma_wait3A_292 = arith.constant 0 : i32
    %dma_wait3A_293 = arith.constant 0 : i32
    %dma_wait3A_294 = arith.constant 0 : i32
    %dma_wait3A_295 = tpu.memref_slice %arg4[%dma_wait3A_292, %add3A, %dma_wait3A_293, %dma_wait3A_294] : memref<1600x32x8x128xf32, #tpu.memory_space<hbm>> -> memref<8x1x8x128xf32, #tpu.memory_space<hbm>>
    %dma_wait3A_296 = tpu.memref_squeeze %dma_wait3A_295 : memref<8x1x8x128xf32, #tpu.memory_space<hbm>> -> memref<8x8x128xf32, #tpu.memory_space<hbm>>
    %dma_wait3A_297 = arith.constant 0 : i32
    %dma_wait3A_298 = arith.constant 0 : i32
    %dma_wait3A_299 = arith.constant 0 : i32
    %dma_wait3A_300 = tpu.memref_slice %arg4[%dma_wait3A_297, %add3A, %dma_wait3A_298, %dma_wait3A_299] : memref<1600x32x8x128xf32, #tpu.memory_space<hbm>> -> memref<8x1x8x128xf32, #tpu.memory_space<hbm>>
    %dma_wait3A_301 = tpu.memref_squeeze %dma_wait3A_300 : memref<8x1x8x128xf32, #tpu.memory_space<hbm>> -> memref<8x8x128xf32, #tpu.memory_space<hbm>>
    %dma_wait3A_302 = arith.constant 0 : i32
    %dma_wait3A_303 = arith.constant 0 : i32
    %dma_wait3A_304 = arith.constant 0 : i32
    %dma_wait3A_305 = tpu.memref_slice %arg10[%dma_wait3A_302, %dma_wait3A_303, %dma_wait3A_304] : memref<8x8x129xf32, #tpu.memory_space<vmem>> -> memref<8x8x128xf32, #tpu.memory_space<vmem>>
    tpu.wait_dma2 semaphore(%arg14 : memref<!tpu.dma_semaphore, #tpu.memory_space<semaphore_mem>>) src(%dma_wait3A_305 : memref<8x8x128xf32, #tpu.memory_space<vmem>>) dst(%dma_wait3A_301 : memref<8x8x128xf32, #tpu.memory_space<hbm>>)
    %dma_wait3A_306 = arith.constant 0 : i32
    %dma_wait3A_307 = arith.constant 0 : i32
    %dma_wait3A_308 = arith.constant 0 : i32
    %dma_wait3A_309 = tpu.memref_slice %arg11[%dma_wait3A_306, %dma_wait3A_307, %dma_wait3A_308] : memref<8x8x129xf32, #tpu.memory_space<vmem>> -> memref<8x8x128xf32, #tpu.memory_space<vmem>>
    %dma_wait3A_310 = arith.constant 0 : i32
    %dma_wait3A_311 = arith.constant 0 : i32
    %dma_wait3A_312 = arith.constant 0 : i32
    %dma_wait3A_313 = tpu.memref_slice %arg4[%dma_wait3A_310, %add3A, %dma_wait3A_311, %dma_wait3A_312] : memref<1600x32x8x128xf32, #tpu.memory_space<hbm>> -> memref<8x1x8x128xf32, #tpu.memory_space<hbm>>
    %dma_wait3A_314 = tpu.memref_squeeze %dma_wait3A_313 : memref<8x1x8x128xf32, #tpu.memory_space<hbm>> -> memref<8x8x128xf32, #tpu.memory_space<hbm>>
    %dma_wait3A_315 = arith.constant 0 : i32
    %dma_wait3A_316 = arith.constant 0 : i32
    %dma_wait3A_317 = arith.constant 0 : i32
    %dma_wait3A_318 = tpu.memref_slice %arg4[%dma_wait3A_315, %add3A, %dma_wait3A_316, %dma_wait3A_317] : memref<1600x32x8x128xf32, #tpu.memory_space<hbm>> -> memref<8x1x8x128xf32, #tpu.memory_space<hbm>>
    %dma_wait3A_319 = tpu.memref_squeeze %dma_wait3A_318 : memref<8x1x8x128xf32, #tpu.memory_space<hbm>> -> memref<8x8x128xf32, #tpu.memory_space<hbm>>
    %dma_wait3A_320 = arith.constant 0 : i32
    %dma_wait3A_321 = arith.constant 0 : i32
    %dma_wait3A_322 = arith.constant 0 : i32
    %dma_wait3A_323 = tpu.memref_slice %arg11[%dma_wait3A_320, %dma_wait3A_321, %dma_wait3A_322] : memref<8x8x129xf32, #tpu.memory_space<vmem>> -> memref<8x8x128xf32, #tpu.memory_space<vmem>>
    tpu.wait_dma2 semaphore(%arg15 : memref<!tpu.dma_semaphore, #tpu.memory_space<semaphore_mem>>) src(%dma_wait3A_323 : memref<8x8x128xf32, #tpu.memory_space<vmem>>) dst(%dma_wait3A_319 : memref<8x8x128xf32, #tpu.memory_space<hbm>>)
    return
  }
}

</mosaic_0001>

<sc_bundles>
// kernel: kernel.3.cloned.1.call-start
scs
__scs_entry_jumppad:
0x0: {  	(pc) =	sbr.rel $0x88, $3  }
0x1: {  	(tag) =	ssettag $0x0;
	lr =	simm.s32 $0x1  }
0x2: {  	[smem:$0x3F9F] =	sst lr;
	_ =	strace $0xD0000000  }
0x3: {  	_ = 	snop  }
0x4: {  	_ = 	snop  }
0x5: {  	_ = 	snop  }
0x6: {  	_ = 	snop  }
0x7: {  	_ = 	snop  }
__scs_overlays_trampoline_lowered:
0x8: {  	[smem:$0x3FAE] =	sst s0  }
0x9: {  	[smem:$0x3FAF] =	sst s1  }
0xa: {  	[smem:$0x3FB0] =	sst s2  }
0xb: {  	[smem:$0x3FB1] =	sst s3  }
0xc: {  	[smem:$0x3FB2] =	sst s4  }
0xd: {  	[smem:$0x3FB3] =	sst s5  }
0xe: {  	[smem:$0x3FB4] =	sst s6  }
0xf: {  	[smem:$0x3FB5] =	sst s7  }
0x10: {  	[smem:$0x3FB6] =	sst s8  }
0x11: {  	[smem:$0x3FB7] =	sst s9;
	s0 =	simm.s32 @!p0 $0x0  }
0x12: {  	s1 =	sld [smem:$0x3F9D];
	s0 =	simm.s32 @p0 $0x1  }
0x13: {  	[smem:$0x3FB8] =	sst s0;
	s0 =	simm.s32 @!p1 $0x0  }
0x14: {  	s2 =	sld [smem:$0x3F9C];
	s0 =	simm.s32 @p1 $0x1  }
0x15: {  	[smem:$0x3FB9] =	sst s0;
	s0 =	simm.s32 @!p2 $0x0  }
0x16: {  	s3 =	sld [smem:$0x3FDB];
	s0 =	simm.s32 @p2 $0x1  }
0x17: {  	s4 =	simm.s32 $0x1BF5;
	[smem:$0x3FBB] =	sst s0  }
0x18: {  	s0 =	sld [smem:$0x3F9E];
	_ =	swait.ge [sflag:s4], $0x0  }
0x19: {  	s7 =	sld [smem:$0x3F9F]  }
0x1a: {  	s8 =	sadd.s32 $0xFFFFE003, lr  }
0x1b: {  	s9 =	sadd.s32 $0xFFFFFEF7, lr;
	s5 =	simm.s32 $0xFFFFFFFF;
	p2 =	slt.u32 s8, $0xFFFFF086  }
0x1c: {  	p1 =	slt.u32 s9, $0xF7A;
	s5 =	simm.s32 @!p2 $0x0  }
0x1d: {  	s5 =	simm.s32 @p1 $0x1;
	p0 =	seq.s32 s7, s2  }
0x1e: {  	s7 =	smul.u32 @!p0 $0xF7A, s2;
	p2 =	seq.s32 @!p0 s5, $0x0  }
0x1f: {  	s9 =	smul.u32 $0xF7A, s1;
	s8 =	simm.s32 @!p0 $0x1BF5;
	p2 =	por !p2, p0  }
0x20: {  	[sflag:s8] =	ssyncset.s32 @!p0 $0xFFFFF086;
	s6 =	sadd.s32 @!p0 s3, s7;
	s7 =	simm.s32 @!p0 $0x108  }
0x21: {  	s3 =	sadd.s32 s3, s9;
	s6 =	sadd.s32 @!p0 $0x88, s6;
	s7 =	simm.s32 @p2 $0x1082  }
0x22: {  	[simem:s7], [sflag:s8] =	dma.local @!p0 [hbm:s6], $0xF7A  }
0x23: {  	s9 =	sor.u32 $0xD0000000, s2;
	s6 =	simm.s32 $0x108;
	_ =	swait.ge @!p0 [sflag:s8], $0x0  }
0x24: {  	s3 =	sadd.s32 $0x88, s3;
	s6 =	simm.s32 @!p1 $0x1082;
	[sflag:s4] =	ssyncset.s32 $0xFFFFF086  }
0x25: {  	[simem:s6], [sflag:s4] =	dma.local [hbm:s3], $0xF7A  }
0x26: {  	[smem:$0x3F9F] =	sst s1;
	(tag) =	ssettag s2;
	_ =	strace s9  }
0x27: {  	s1 =	sld [smem:$0x3FAF]  }
0x28: {  	s2 =	sld [smem:$0x3FB0]  }
0x29: {  	s4 =	sld [smem:$0x3FB2]  }
0x2a: {  	p0 =	seq.s32 s5, $0x0;
	s5 =	sld [smem:$0x3FB3]  }
0x2b: {  	s6 =	sld [smem:$0x3FB4]  }
0x2c: {  	s7 =	sld [smem:$0x3FB5]  }
0x2d: {  	s3 =	simm.s32 $0x108;
	s8 =	sld [smem:$0x3FB6]  }
0x2e: {  	s3 =	simm.s32 @!p0 $0x1082;
	s9 =	sld [smem:$0x3FB7]  }
0x2f: {  	lr =	sadd.s32 s0, s3;
	s0 =	sld [smem:$0x3FAE]  }
0x30: {  	s3 =	sld [smem:$0x3FB1]  }
0x31: {  	[smem:$0x3FBA] =	sst s10  }
0x32: {  	s10 =	sld [smem:$0x3FB8];
	_ =	sdelay $0x3  }
0x33: {  	p0 =	seq.s32 s10, $0x1;
	s10 =	sld [smem:$0x3FBA];
	_ =	sdelay $0x3  }
0x34: {  	[smem:$0x3FBA] =	sst s10  }
0x35: {  	s10 =	sld [smem:$0x3FB9];
	_ =	sdelay $0x3  }
0x36: {  	p1 =	seq.s32 s10, $0x1;
	s10 =	sld [smem:$0x3FBA];
	_ =	sdelay $0x3  }
0x37: {  	[smem:$0x3FBA] =	sst s10  }
0x38: {  	s10 =	sld [smem:$0x3FBB]  }
0x39: {  	_ = 	snop;
	(pc) =	sbr.ind lr, $3  }
0x3a: {  	_ = 	snop  }
0x3b: {  	_ = 	snop  }
0x3c: {  	p2 =	seq.s32 s10, $0x1;
	s10 =	sld [smem:$0x3FBA]  }
0x3d: {  	_ =	shalt  }
0x3e: {  	_ =	shalt  }
0x3f: {  	_ =	shalt  }
0x40: {  	_ =	shalt  }
0x41: {  	_ =	shalt  }
0x42: {  	_ =	shalt  }
0x43: {  	_ =	shalt  }
0x44: {  	_ =	shalt  }
0x45: {  	_ =	shalt  }
0x46: {  	_ =	shalt  }
0x47: {  	_ =	shalt  }
0x48: {  	_ =	shalt  }
0x49: {  	_ =	shalt  }
0x4a: {  	_ =	shalt  }
0x4b: {  	_ =	shalt  }
0x4c: {  	_ =	shalt  }
0x4d: {  	_ =	shalt  }
0x4e: {  	_ =	shalt  }
0x4f: {  	_ =	shalt  }
0x50: {  	_ =	shalt  }
0x51: {  	_ =	shalt  }
0x52: {  	_ =	shalt  }
0x53: {  	_ =	shalt  }
0x54: {  	_ =	shalt  }
0x55: {  	_ =	shalt  }
0x56: {  	_ =	shalt  }
0x57: {  	_ =	shalt  }
0x58: {  	_ =	shalt  }
0x59: {  	_ =	shalt  }
0x5a: {  	_ =	shalt  }
0x5b: {  	_ =	shalt  }
0x5c: {  	_ =	shalt  }
0x5d: {  	_ =	shalt  }
0x5e: {  	_ =	shalt  }
0x5f: {  	_ =	shalt  }
0x60: {  	_ =	shalt  }
0x61: {  	_ =	shalt  }
0x62: {  	_ =	shalt  }
0x63: {  	_ =	shalt  }
0x64: {  	_ =	shalt  }
0x65: {  	_ =	shalt  }
0x66: {  	_ =	shalt  }
0x67: {  	_ =	shalt  }
0x68: {  	_ =	shalt  }
0x69: {  	_ =	shalt  }
0x6a: {  	_ =	shalt  }
0x6b: {  	_ =	shalt  }
0x6c: {  	_ =	shalt  }
0x6d: {  	_ =	shalt  }
0x6e: {  	_ =	shalt  }
0x6f: {  	_ =	shalt  }
0x70: {  	_ =	shalt  }
0x71: {  	_ =	shalt  }
0x72: {  	_ =	shalt  }
0x73: {  	_ =	shalt  }
0x74: {  	_ =	shalt  }
0x75: {  	_ =	shalt  }
0x76: {  	_ =	shalt  }
0x77: {  	_ =	shalt  }
0x78: {  	_ =	shalt  }
0x79: {  	_ =	shalt  }
0x7a: {  	_ =	shalt  }
0x7b: {  	_ =	shalt  }
0x7c: {  	_ =	shalt  }
0x7d: {  	_ =	shalt  }
0x7e: {  	_ =	shalt  }
0x7f: {  	_ =	shalt  }
0x80: {  	_ =	shalt  }
0x81: {  	_ =	shalt  }
0x82: {  	_ =	shalt  }
0x83: {  	_ =	shalt  }
0x84: {  	_ =	shalt  }
0x85: {  	_ =	shalt  }
0x86: {  	_ =	shalt  }
0x87: {  	_ =	shalt  }
.Lfunc_end0:
.L_simem_size_0:
called_computation_lowered:
.L_overlay_start_0:
0x88: {  	s2 =	sld [smem:$0x3FD9]  }
0x89: {  	s3 =	sld [smem:$0x3FFE];
	_ =	sdelay $0x1  }
0x8a: {  	s1 =	srdreg.scid  }
0x8b: {  	s0 =	sand.u32 $0x1, s1  }
0x8c: {  	s17 =	sshll.u32 s0, $0xA;
	s2 =	sadd.s32 s3, s2  }
0x8d: {  	s2 =	sadd.s32 s2, s17  }
0x8e: {  	[smem:$0x3FC6] =	sst s2  }
0x8f: {  	_ = 	snop  }
0x90: {  	s2 =	sld [smem:$0x3FD0];
	(tm) =	ssettm $0x1  }
0x91: {  	s18 =	sld [smem:$0x3FFB];
	_ =	sdelay $0x3  }
0x92: {  	_ =	strace s18  }
0x93: {  	s3 =	sld [smem:$0x3FFC];
	_ =	sdelay $0x3  }
0x94: {  	_ =	strace s3  }
0x95: {  	s3 =	sld [smem:$0x3FFD];
	_ =	sdelay $0x3  }
0x96: {  	_ =	strace s3  }
0x97: {  	_ =	strace $0x8FFFFFFF  }
0x98: {  	s19 =	sld [smem:$0x3FDB];
	_ =	sdelay $0x1  }
0x99: {  	s4 =	simm.s32 $_scs_section_size  }
0x9a: {  	s5 =	simm.s32 $_size__tile_overlayer_lowered;
	s6 =	simm.s32 $_tile_overlayer_lowered  }
0x9b: {  	s22 =	simm.s32 $0x1BFF;
	s21 =	sshll.u32 s6, $0x1;
	s3 =	sadd.s32 s4, s19  }
0x9c: {  	s7 =	simm.s32 $0x0;
	s20 =	sshll.u32 s5, $0x1;
	s5 =	sadd.s32 s21, s3  }
0x9d: {  	[timem:s7], [sflag:s22] =	dma.local [hbm:s5], s20  }
0x9e: {  	_ =	swait.ge [sflag:s22], s20  }
0x9f: {  	s4 =	ssub.s32 $0x0, s20;
	[sflag:s22] =	ssyncset.done $0x0  }
0xa0: {  	[sflag:s22] =	ssyncadd.s32 s4;
	_ =	sdelay $0x1  }
0xa1: {  	s23 =	simm.s32 $0x1B8B  }
0xa2: {  	_ =	swait.ge [sflag:s23], $0x1  }
0xa3: {  	[sflag:s23] =	ssyncset.done $0x0  }
0xa4: {  	s25 =	simm.s32 $0x1B8E;
	s24 =	sld [smem:$0x3FFE];
	[sflag:s23] =	ssyncadd.s32 $0xFFFFFFFF  }
0xa5: {  	s26 =	simm.s32 $execute0_lowered;
	[smem:$0x3FD2] =	sst s25  }
0xa6: {  	s5 =	sshll.u32 s26, $0x1;
	_ =	strace $0x80000046;
	[dreg:$0x1] =	wrdreg $0xFFFFFFFF  }
0xa7: {  	s28 =	simm.s32 $_size_execute0_lowered;
	s3 =	sadd.s32 s3, s5;
	[dreg:$0x0] =	wrdreg $0x0  }
0xa8: {  	s5 =	sshll.u32 s28, $0x1;
	[dreg:$0x2] =	wrdreg s3  }
0xa9: {  	[dreg:$0x3] =	wrdreg s5  }
0xaa: {  	[dreg:$0x4] =	wrdreg $0xC0  }
0xab: {  	_ =	task [dreg:s7], $0x5FFFF  }
0xac: {  	[dreg:$0x1] =	wrdreg $0xFFFFFFFF  }
0xad: {  	[dreg:$0x0] =	wrdreg $0x60  }
0xae: {  	[dreg:$0x2] =	wrdreg s24  }
0xaf: {  	[dreg:$0x3] =	wrdreg s2  }
0xb0: {  	[dreg:$0x4] =	wrdreg $0x0  }
0xb1: {  	[dreg:$0x5] =	wrdreg $0x9  }
0xb2: {  	_ =	task.clear_ibuf [dreg:s7], $0x6FFFF;
	_ =	strace $0x90000046  }
0xb3: {  	s29 =	simm.s32 $0x9;
	_ =	strace $0x80000048  }
0xb4: {  	_ =	swait.ge [sflag:s29], $0x1  }
0xb5: {  	[sflag:s29] =	ssyncadd.s32 $0xFFFFFFFF  }
0xb6: {  	_ =	strace $0x90000048  }
0xb7: {  	_ =	sfence  }
0xb8: {  	s30 =	sld [smem:$0x0];
	_ =	sdelay $0x2  }
0xb9: {  	s31 =	sshll.u32 s1, $0xD;
	s1 =	sshrl.u32 s1, $0x2  }
0xba: {  	s3 =	sand.u32 $0x4000, s31;
	s1 =	sadd.s32 s1, s30  }
0xbb: {  	s0 =	sor.u32 s3, s0;
	s1 =	sshll.u32 s1, $0x11  }
0xbc: {  	s0 =	sor.u32 s1, s0  }
0xbd: {  	s0 =	sadd.s32 $0x8F2B, s0  }
0xbe: {  	[sflag:s0] =	ssyncadd.remote.s32 $0x1  }
0xbf: {  	_ =	sfence.sel $0xFFFF  }
0xc0: {  	[dreg:$0x0] =	wrdreg $0xFFFFFFFF;
	(pc) =	sbr.abs _section_cstart, $3  }
0xc1: {  	[dreg:$0x1] =	wrdreg $0xFFFFFFFF  }
0xc2: {  	_ =	task.clear_ibuf [dreg:s7], $0x2FFFF;
	_ =	strace $0x9FFFFFFF  }
0xc3: {  	(tm) =	ssettm $0x7FFFFFFF  }
tec
execute0_lowered:
.L_overlay_start_1:
0x0: {  	(tag) =	ssettag $0x1  }
0x1: {  	s0 =	rddreg [dreg:$0x0]  }
0x2: {  	s2 =	srdreg.scid;
	s4 =	stileid.u32  }
0x3: {  	s1 =	rddreg [dreg:$0x1];
	s13 =	simm.s32 $0xFA0;
	s14 =	simm.s32 $0x5  }
0x4: {  	s20 =	simm.s32 $0x1;
	s21 =	simm.s32 $0xCCA0;
	s22 =	simm.s32 $0x2  }
0x5: {  	s23 =	simm.s32 $0xEEA0;
	s5 =	sand.u32 $0x1, s2;
	s3 =	sshll.u32 s4, $0x1  }
0x6: {  	s24 =	simm.s32 $0x3;
	s28 =	simm.s32 $0x0;
	s6 =	sor.u32 s5, s3  }
0x7: {  	s2 =	rddreg [dreg:$0x2];
	s10 =	sadd.s32 $0x8000, s1;
	s7 =	smul.u32 $0x6400, s6  }
0x8: {  	p0 =	sne.s32 s4, $0x0;
	s3 =	simm.s32 $0x0;
	s5 =	ssub.s32 $0x2, s5  }
0x9: {  	s12 =	sshrl.u32 @!p0 s2, $0x3;
	[smem:$0x7FF] =	sst s3;
	s7 =	sshrl.u32 s7, $0x3  }
0xa: {  	s25 =	sshrl.u32 s5, $0x1;
	s7 =	sadd.s32 s7, s0;
	s0 =	sadd.s32 $0x400, s0  }
0xb: {  	v1 =	vlaneseq.u32;
	_ =	strace $0x80000047;
	[dreg:$0x4] =	wrdreg s0;
	s26 =	sadd.s32 $0x2400, s7  }
0xc: {  	v0 =	vmul.u32 $0xC8, v1;
	s9 =	sshll.u32 s6, $0x7;
	s29 =	sadd.s32 $0x2720, s7;
	[dreg:$0x5] =	wrdreg s26  }
0xd: {  	v1 =	vmul.u32 $0x88, v1;
	s0 =	ssub.s32 s5, s25;
	s30 =	sadd.s32 $0x2A40, s7;
	[dreg:$0x6] =	wrdreg s29  }
0xe: {  	v2 =	vadd.s32 $0xC80, v0;
	s31 =	sadd.s32 $0x2D60, s7;
	s25 =	simm.s32 $0x4;
	[dreg:$0x7] =	wrdreg s30  }
0xf: {  	v3 =	vadd.s32 $0x880, v1;
	v4 =	vadd.s32 $0x1100, v1;
	v5 =	vadd.s32 $0x1980, v1;
	[dreg:$0x8] =	wrdreg s31;
	s11 =	smax.u32 s0, $0x1;
	s26 =	simm.s32 $0x0  }
.LBB2_1:
0x10: {  	s0 =	simm.s32 @!p0 $0x1C05;
	s4 =	rddreg [dreg:$0x4]  }
0x11: {  	[spmem:s12], [sflag:s0] =	dma.local @!p0 [hbm:s4], $0x1F40  }
0x12: {  	s0 =	simm.s32 @!p0 $0x5  }
0x13: {  	_ =	swait.ge @!p0 [sflag:s0], $0x1F40  }
0x14: {  	[sflag:s0] =	ssyncset.done @!p0 $0x0  }
0x15: {  	[sflag:s0] =	ssyncadd.s32 @!p0 $0xFFFFE0C0  }
0x16: {  	[bflag:$0x0] =	sbarrier.arrive $0xFFFF  }
0x17: {  	v6 =	vadd.s32 s3, v0;
	s31 =	rddreg [dreg:$0x5]  }
0x18: {  	[tilespmem:s13], [sflag:$0x5] =	stream.linear.gather [hbm4b:s31+s3], $0x1900, $0x38;
	[tilespmem:$0x110A0] =	vst v63  }
0x19: {  	_ =	swait.ge [sflag:s14], $0x1900  }
0x1a: {  	[sflag:s14] =	ssyncset.done $0x0  }
0x1b: {  	s6 =	simm.s32 $0x1;
	[sflag:s14] =	ssyncadd.s32 $0xFFFFE700  }
0x1c: {  	v7 =	vadd.s32 s6, v0;
	v6 =	vld.idx.msk [tilespmem:v6+s13+$0x0], $0xffff  }
0x1d: {  	v8 =	vadd.s32 s3, v2;
	_ =	sdelay $0x2  }
0x1e: {  	s5 =	simm.s32 $0x28B0;
	s0 =	simm.s32 $0x2  }
0x1f: {  	v9 =	vld.idx.msk [tilespmem:v7+s13+$0x0], $0xffff;
	v7 =	vadd.s32 s0, v0;
	[tilespmem:s5+$0xFFFFFFF0] =	vst v6  }
0x20: {  	v6 =	vld.idx.msk [tilespmem:v8+s13+$0x0], $0xffff;
	v8 =	vadd.s32 s6, v2;
	_ =	sdelay $0x2  }
0x21: {  	s4 =	simm.s32 $0x2930  }
0x22: {  	v7 =	vld.idx.msk [tilespmem:v7+s13+$0x0], $0xffff;
	[tilespmem:s4+$0xFFFFFFF0] =	vst v9;
	s6 =	simm.s32 $0x3  }
.LBB2_2:
0x23: {  	v9 =	vadd.s32 s6, v0;
	p1 =	sne.s32 s6, $0xC7;
	[tilespmem:s5+$0x0] =	vst v6;
	v6 =	vld.idx.msk [tilespmem:v8+s13+$0x0], $0xffff;
	s5 =	smov.u32 s6;
	s6 =	sadd.s32 $0x1, s6  }
.Ltmp0:
0x24: {  	v8 =	vadd.s32 s0, v2;
	s0 =	smov.u32 s5;
	s5 =	smov.u32 s4;
	(pc) =	sbr.rel @p1 .LBB2_2-.Ltmp0, $3  }
0x25: {  	_ =	sdelay $0x1  }
0x26: {  	s4 =	sadd.s32 $0x80, s4  }
0x27: {  	[tilespmem:s4+$0xFFFFFFF0] =	vst v7;
	v7 =	vld.idx.msk [tilespmem:v9+s13+$0x0], $0xffff  }
0x28: {  	v9 =	vadd.s32 s0, v2;
	_ =	sdelay $0x2  }
0x29: {  	s30 =	sadd.s32 $0x80, s4  }
0x2a: {  	v8 =	vld.idx.msk [tilespmem:v8+s13+$0x0], $0xffff;
	[tilespmem:s30+$0xFFFFFFF0] =	vst v7  }
0x2b: {  	v7 =	vld.idx.msk [tilespmem:v9+s13+$0x0], $0xffff;
	_ =	sdelay $0x2  }
0x2c: {  	[tilespmem:s5+$0x0] =	vst v6  }
0x2d: {  	[tilespmem:s4+$0x0] =	vst v8  }
0x2e: {  	s31 =	simm.s32 $0x0;
	[tilespmem:s30+$0x0] =	vst v7  }
0x2f: {  	v6 =	vadd.s32 s31, v0;
	s0 =	rddreg [dreg:$0x6]  }
0x30: {  	[tilespmem:s13], [sflag:$0x5] =	stream.linear.gather [hbm4b:s0+s31], $0x1900, $0x38;
	[tilespmem:$0x110A0] =	vst v63  }
0x31: {  	_ =	swait.ge [sflag:s14], $0x1900  }
0x32: {  	[sflag:s14] =	ssyncset.done $0x0  }
0x33: {  	s6 =	simm.s32 $0x1;
	[sflag:s14] =	ssyncadd.s32 $0xFFFFE700  }
0x34: {  	v7 =	vadd.s32 s6, v0;
	v6 =	vld.idx.msk [tilespmem:v6+s13+$0x0], $0xffff  }
0x35: {  	v8 =	vadd.s32 s31, v2;
	_ =	sdelay $0x2  }
0x36: {  	s5 =	simm.s32 $0x28D0;
	s0 =	simm.s32 $0x2  }
0x37: {  	v9 =	vld.idx.msk [tilespmem:v7+s13+$0x0], $0xffff;
	v7 =	vadd.s32 s0, v0;
	[tilespmem:s5+$0xFFFFFFF0] =	vst v6  }
0x38: {  	v6 =	vld.idx.msk [tilespmem:v8+s13+$0x0], $0xffff;
	v8 =	vadd.s32 s6, v2;
	_ =	sdelay $0x2  }
0x39: {  	s4 =	simm.s32 $0x2950  }
0x3a: {  	v7 =	vld.idx.msk [tilespmem:v7+s13+$0x0], $0xffff;
	[tilespmem:s4+$0xFFFFFFF0] =	vst v9;
	s6 =	simm.s32 $0x3  }
.LBB2_4:
0x3b: {  	v9 =	vadd.s32 s6, v0;
	p1 =	sne.s32 s6, $0xC7;
	[tilespmem:s5+$0x0] =	vst v6;
	v6 =	vld.idx.msk [tilespmem:v8+s13+$0x0], $0xffff;
	s5 =	smov.u32 s6;
	s6 =	sadd.s32 $0x1, s6  }
.Ltmp1:
0x3c: {  	v8 =	vadd.s32 s0, v2;
	s0 =	smov.u32 s5;
	s5 =	smov.u32 s4;
	(pc) =	sbr.rel @p1 .LBB2_4-.Ltmp1, $3  }
0x3d: {  	_ =	sdelay $0x1  }
0x3e: {  	s4 =	sadd.s32 $0x80, s4  }
0x3f: {  	[tilespmem:s4+$0xFFFFFFF0] =	vst v7;
	v7 =	vld.idx.msk [tilespmem:v9+s13+$0x0], $0xffff  }
0x40: {  	v9 =	vadd.s32 s0, v2;
	_ =	sdelay $0x2  }
0x41: {  	s30 =	sadd.s32 $0x80, s4  }
0x42: {  	v8 =	vld.idx.msk [tilespmem:v8+s13+$0x0], $0xffff;
	[tilespmem:s30+$0xFFFFFFF0] =	vst v7  }
0x43: {  	v7 =	vld.idx.msk [tilespmem:v9+s13+$0x0], $0xffff;
	_ =	sdelay $0x2  }
0x44: {  	[tilespmem:s5+$0x0] =	vst v6  }
0x45: {  	[tilespmem:s4+$0x0] =	vst v8  }
0x46: {  	s31 =	simm.s32 $0x0;
	[tilespmem:s30+$0x0] =	vst v7  }
0x47: {  	v6 =	vadd.s32 s31, v0;
	s0 =	rddreg [dreg:$0x7]  }
0x48: {  	[tilespmem:s13], [sflag:$0x5] =	stream.linear.gather [hbm4b:s0+s31], $0x1900, $0x38;
	[tilespmem:$0x110A0] =	vst v63  }
0x49: {  	_ =	swait.ge [sflag:s14], $0x1900  }
0x4a: {  	[sflag:s14] =	ssyncset.done $0x0  }
0x4b: {  	s6 =	simm.s32 $0x1;
	[sflag:s14] =	ssyncadd.s32 $0xFFFFE700  }
0x4c: {  	v7 =	vadd.s32 s6, v0;
	v6 =	vld.idx.msk [tilespmem:v6+s13+$0x0], $0xffff  }
0x4d: {  	v8 =	vadd.s32 s31, v2;
	_ =	sdelay $0x2  }
0x4e: {  	s5 =	simm.s32 $0x28F0;
	s0 =	simm.s32 $0x2  }
0x4f: {  	v9 =	vld.idx.msk [tilespmem:v7+s13+$0x0], $0xffff;
	v7 =	vadd.s32 s0, v0;
	[tilespmem:s5+$0xFFFFFFF0] =	vst v6  }
0x50: {  	v6 =	vld.idx.msk [tilespmem:v8+s13+$0x0], $0xffff;
	v8 =	vadd.s32 s6, v2;
	_ =	sdelay $0x2  }
0x51: {  	s4 =	simm.s32 $0x2970  }
0x52: {  	v7 =	vld.idx.msk [tilespmem:v7+s13+$0x0], $0xffff;
	[tilespmem:s4+$0xFFFFFFF0] =	vst v9;
	s6 =	simm.s32 $0x3  }
.LBB2_6:
0x53: {  	v9 =	vadd.s32 s6, v0;
	p1 =	sne.s32 s6, $0xC7;
	[tilespmem:s5+$0x0] =	vst v6;
	v6 =	vld.idx.msk [tilespmem:v8+s13+$0x0], $0xffff;
	s5 =	smov.u32 s6;
	s6 =	sadd.s32 $0x1, s6  }
.Ltmp2:
0x54: {  	v8 =	vadd.s32 s0, v2;
	s0 =	smov.u32 s5;
	s5 =	smov.u32 s4;
	(pc) =	sbr.rel @p1 .LBB2_6-.Ltmp2, $3  }
0x55: {  	_ =	sdelay $0x1  }
0x56: {  	s4 =	sadd.s32 $0x80, s4  }
0x57: {  	[tilespmem:s4+$0xFFFFFFF0] =	vst v7;
	v7 =	vld.idx.msk [tilespmem:v9+s13+$0x0], $0xffff  }
0x58: {  	v9 =	vadd.s32 s0, v2;
	_ =	sdelay $0x2  }
0x59: {  	s30 =	sadd.s32 $0x80, s4  }
0x5a: {  	v8 =	vld.idx.msk [tilespmem:v8+s13+$0x0], $0xffff;
	[tilespmem:s30+$0xFFFFFFF0] =	vst v7  }
0x5b: {  	v7 =	vld.idx.msk [tilespmem:v9+s13+$0x0], $0xffff;
	_ =	sdelay $0x2  }
0x5c: {  	[tilespmem:s5+$0x0] =	vst v6  }
0x5d: {  	[tilespmem:s4+$0x0] =	vst v8  }
0x5e: {  	s31 =	simm.s32 $0x0;
	[tilespmem:s30+$0x0] =	vst v7  }
0x5f: {  	v6 =	vadd.s32 s31, v0;
	s0 =	rddreg [dreg:$0x8]  }
0x60: {  	[tilespmem:s13], [sflag:$0x5] =	stream.linear.gather [hbm4b:s0+s31], $0x1900, $0x38;
	[tilespmem:$0x110A0] =	vst v63  }
0x61: {  	_ =	swait.ge [sflag:s14], $0x1900  }
0x62: {  	[sflag:s14] =	ssyncset.done $0x0  }
0x63: {  	s6 =	simm.s32 $0x1;
	[sflag:s14] =	ssyncadd.s32 $0xFFFFE700  }
0x64: {  	v7 =	vadd.s32 s6, v0;
	v6 =	vld.idx.msk [tilespmem:v6+s13+$0x0], $0xffff  }
0x65: {  	v8 =	vadd.s32 s31, v2;
	_ =	sdelay $0x2  }
0x66: {  	s5 =	simm.s32 $0x2910;
	s0 =	simm.s32 $0x2  }
0x67: {  	v9 =	vld.idx.msk [tilespmem:v7+s13+$0x0], $0xffff;
	v7 =	vadd.s32 s0, v0;
	[tilespmem:s5+$0xFFFFFFF0] =	vst v6  }
0x68: {  	v6 =	vld.idx.msk [tilespmem:v8+s13+$0x0], $0xffff;
	v8 =	vadd.s32 s6, v2;
	_ =	sdelay $0x2  }
0x69: {  	s4 =	simm.s32 $0x2990  }
0x6a: {  	v7 =	vld.idx.msk [tilespmem:v7+s13+$0x0], $0xffff;
	[tilespmem:s4+$0xFFFFFFF0] =	vst v9;
	s6 =	simm.s32 $0x3  }
.LBB2_8:
0x6b: {  	v9 =	vadd.s32 s6, v0;
	p1 =	sne.s32 s6, $0xC7;
	[tilespmem:s5+$0x0] =	vst v6;
	v6 =	vld.idx.msk [tilespmem:v8+s13+$0x0], $0xffff;
	s5 =	smov.u32 s6;
	s6 =	sadd.s32 $0x1, s6  }
.Ltmp3:
0x6c: {  	v8 =	vadd.s32 s0, v2;
	s0 =	smov.u32 s5;
	s5 =	smov.u32 s4;
	(pc) =	sbr.rel @p1 .LBB2_8-.Ltmp3, $3  }
0x6d: {  	_ =	sdelay $0x1  }
0x6e: {  	s4 =	sadd.s32 $0x80, s4  }
0x6f: {  	[tilespmem:s4+$0xFFFFFFF0] =	vst v7;
	v7 =	vld.idx.msk [tilespmem:v9+s13+$0x0], $0xffff  }
0x70: {  	v9 =	vadd.s32 s0, v2;
	_ =	sdelay $0x2  }
0x71: {  	s16 =	sadd.s32 $0x80, s4  }
0x72: {  	v8 =	vld.idx.msk [tilespmem:v8+s13+$0x0], $0xffff;
	[tilespmem:s16+$0xFFFFFFF0] =	vst v7  }
0x73: {  	v7 =	vld.idx.msk [tilespmem:v9+s13+$0x0], $0xffff;
	_ =	sdelay $0x2  }
0x74: {  	[tilespmem:s5+$0x0] =	vst v6  }
0x75: {  	[tilespmem:s4+$0x0] =	vst v8  }
0x76: {  	s17 =	simm.s32 $0x80;
	s18 =	simm.s32 $0x28A0;
	s19 =	simm.s32 $0x8CA0;
	[tilespmem:s16+$0x0] =	vst v7  }
0x77: {  	[tilespmem:s19], [sflag:$0x1] =	stream.indirect.gather [spmem:s2], $0x40, s18, s17, $0xb8;
	[tilespmem:$0x110A0] =	vst v63  }
0x78: {  	s30 =	simm.s32 $0x2920;
	s31 =	simm.s32 $0xACA0;
	s29 =	simm.s32 $0x0  }
0x79: {  	[tilespmem:s31], [sflag:$0x2] =	stream.indirect.gather [spmem:s2], $0x40, s30, s17, $0xb8;
	[tilespmem:$0x110A0] =	vst v63  }
.LBB2_10:
0x7a: {  	_ =	swait.ge [sflag:s20], $0x2000  }
0x7b: {  	p1 =	seq.s32 s29, $0x0;
	[sflag:s20] =	ssyncset.done $0x0  }
0x7c: {  	s0 =	simm.s32 @!p1 $0x3;
	[sflag:s20] =	ssyncadd.s32 $0xFFFFE000  }
0x7d: {  	_ =	swait.ge @!p1 [sflag:s0], $0x2000  }
0x7e: {  	v6 =	vmov s28;
	[sflag:s0] =	ssyncset.done @!p1 $0x0  }
0x7f: {  	s5 =	simm.s32 $0x8CE0;
	v6 =	vand.u32 $0x7E, v6;
	[sflag:s0] =	ssyncadd.s32 @!p1 $0xFFFFE000  }
0x80: {  	v8 =	vadd.s32 v1, v6;
	v7 =	vld [tilespmem:s5+$0xFFFFFFC0];
	_ =	sdelay $0x4  }
0x81: {  	s16 =	simm.s32 $0x2;
	[tilespmem:v8+s21+$0x0] =	vst.idx.msk $0xffff, v7  }
0x82: {  	v9 =	vadd.s32 v3, v6;
	v7 =	vmov s16;
	v8 =	vld [tilespmem:s5+$0xFFFFFFD0]  }
0x83: {  	s30 =	simm.s32 $0x8D60;
	v7 =	vand.u32 $0x7E, v7  }
0x84: {  	v10 =	vld [tilespmem:s30+$0xFFFFFFC0];
	v11 =	vadd.s32 v1, v7;
	_ =	sdelay $0x2  }
0x85: {  	[tilespmem:v9+s21+$0x0] =	vst.idx.msk $0xffff, v8  }
0x86: {  	v9 =	vadd.s32 v4, v6;
	v8 =	vld [tilespmem:s5+$0xFFFFFFE0]  }
0x87: {  	s17 =	simm.s32 $0x4;
	[tilespmem:v11+s21+$0x0] =	vst.idx.msk $0xffff, v10  }
0x88: {  	v12 =	vadd.s32 v3, v7;
	v10 =	vmov s17;
	v11 =	vld [tilespmem:s30+$0xFFFFFFD0]  }
0x89: {  	s0 =	simm.s32 $0x8DE0;
	v10 =	vand.u32 $0x7E, v10  }
0x8a: {  	v13 =	vld [tilespmem:s0+$0xFFFFFFC0];
	v14 =	vadd.s32 v1, v10  }
0x8b: {  	[tilespmem:v9+s21+$0x0] =	vst.idx.msk $0xffff, v8  }
0x8c: {  	v6 =	vadd.s32 v5, v6;
	v8 =	vld [tilespmem:s5+$0xFFFFFFF0]  }
0x8d: {  	[tilespmem:v12+s21+$0x0] =	vst.idx.msk $0xffff, v11  }
0x8e: {  	s4 =	simm.s32 $0x6;
	v11 =	vadd.s32 v4, v7;
	v9 =	vld [tilespmem:s30+$0xFFFFFFE0]  }
0x8f: {  	s18 =	simm.s32 $0x1;
	v12 =	vmov s4;
	[tilespmem:v14+s21+$0x0] =	vst.idx.msk $0xffff, v13  }
0x90: {  	v15 =	vmov s18;
	s16 =	simm.s32 $0x8E60;
	v14 =	vadd.s32 v3, v10;
	v12 =	vand.u32 $0x7E, v12;
	v13 =	vld [tilespmem:s0+$0xFFFFFFD0]  }
0x91: {  	v15 =	vand.u32 $0x7F, v15;
	[tilespmem:v6+s21+$0x0] =	vst.idx.msk $0xffff, v8;
	v6 =	vld [tilespmem:s16+$0xFFFFFFC0];
	v8 =	vadd.s32 v1, v12  }
0x92: {  	v17 =	vadd.s32 v1, v15;
	v16 =	vld [tilespmem:s5+$0x0]  }
0x93: {  	[tilespmem:v11+s21+$0x0] =	vst.idx.msk $0xffff, v9  }
0x94: {  	v7 =	vadd.s32 v5, v7;
	v9 =	vld [tilespmem:s30+$0xFFFFFFF0]  }
0x95: {  	[tilespmem:v14+s21+$0x0] =	vst.idx.msk $0xffff, v13  }
0x96: {  	s31 =	simm.s32 $0x8;
	v13 =	vadd.s32 v4, v10;
	v11 =	vld [tilespmem:s0+$0xFFFFFFE0];
	[tilespmem:v8+s21+$0x0] =	vst.idx.msk $0xffff, v6  }
0x97: {  	s19 =	simm.s32 $0x3;
	v18 =	vadd.s32 v3, v12;
	v6 =	vmov s31;
	v14 =	vld [tilespmem:s16+$0xFFFFFFD0];
	[tilespmem:v17+s21+$0x0] =	vst.idx.msk $0xffff, v16  }
0x98: {  	s17 =	simm.s32 $0x8EE0;
	v8 =	vand.u32 $0x7E, v6;
	v6 =	vmov s19;
	v17 =	vadd.s32 v3, v15;
	v16 =	vld [tilespmem:s5+$0x10]  }
0x99: {  	[tilespmem:v7+s21+$0x0] =	vst.idx.msk $0xffff, v9;
	v7 =	vld [tilespmem:s17+$0xFFFFFFC0];
	v9 =	vadd.s32 v1, v8;
	v6 =	vand.u32 $0x7F, v6  }
0x9a: {  	v19 =	vld [tilespmem:s30+$0x0];
	v20 =	vadd.s32 v1, v6  }
0x9b: {  	[tilespmem:v13+s21+$0x0] =	vst.idx.msk $0xffff, v11  }
0x9c: {  	v10 =	vadd.s32 v5, v10;
	v11 =	vld [tilespmem:s0+$0xFFFFFFF0];
	[tilespmem:v18+s21+$0x0] =	vst.idx.msk $0xffff, v14  }
0x9d: {  	v18 =	vadd.s32 v4, v12;
	v14 =	vld [tilespmem:s16+$0xFFFFFFE0];
	[tilespmem:v17+s21+$0x0] =	vst.idx.msk $0xffff, v16  }
0x9e: {  	s4 =	simm.s32 $0xA;
	[tilespmem:v9+s21+$0x0] =	vst.idx.msk $0xffff, v7;
	v16 =	vadd.s32 v4, v15;
	v9 =	vld [tilespmem:s5+$0x20]  }
0x9f: {  	s6 =	simm.s32 $0x5;
	v21 =	vadd.s32 v3, v8;
	v7 =	vmov s4;
	v17 =	vld [tilespmem:s17+$0xFFFFFFD0];
	[tilespmem:v20+s21+$0x0] =	vst.idx.msk $0xffff, v19  }
0xa0: {  	s18 =	simm.s32 $0x8F60;
	v13 =	vand.u32 $0x7E, v7;
	v7 =	vmov s6;
	v20 =	vadd.s32 v3, v6;
	v19 =	vld [tilespmem:s30+$0x10]  }
0xa1: {  	[tilespmem:v10+s21+$0x0] =	vst.idx.msk $0xffff, v11;
	v11 =	vld [tilespmem:s18+$0xFFFFFFC0];
	v22 =	vadd.s32 v1, v13;
	v7 =	vand.u32 $0x7F, v7  }
0xa2: {  	[tilespmem:v18+s21+$0x0] =	vst.idx.msk $0xffff, v14;
	v14 =	vld [tilespmem:s0+$0x0];
	v18 =	vadd.s32 v1, v7  }
0xa3: {  	v24 =	vadd.s32 v5, v12;
	v23 =	vld [tilespmem:s16+$0xFFFFFFF0];
	[tilespmem:v16+s21+$0x0] =	vst.idx.msk $0xffff, v9  }
0xa4: {  	v12 =	vadd.s32 v5, v15;
	[tilespmem:v21+s21+$0x0] =	vst.idx.msk $0xffff, v17;
	v10 =	vld [tilespmem:s5+$0x30]  }
0xa5: {  	v17 =	vadd.s32 v4, v8;
	v16 =	vld [tilespmem:s17+$0xFFFFFFE0];
	[tilespmem:v20+s21+$0x0] =	vst.idx.msk $0xffff, v19  }
0xa6: {  	s5 =	simm.s32 $0xC;
	[tilespmem:v22+s21+$0x0] =	vst.idx.msk $0xffff, v11;
	v11 =	vadd.s32 v4, v6;
	v9 =	vld [tilespmem:s30+$0x20]  }
0xa7: {  	s7 =	simm.s32 $0x7;
	v20 =	vadd.s32 v3, v13;
	v15 =	vmov s5;
	v19 =	vld [tilespmem:s18+$0xFFFFFFD0];
	[tilespmem:v18+s21+$0x0] =	vst.idx.msk $0xffff, v14  }
0xa8: {  	s15 =	simm.s32 $0x8FE0;
	s19 =	sshll.u32 s29, $0xA;
	s6 =	simm.s32 $0xE;
	v21 =	vmov s7;
	v18 =	vand.u32 $0x7E, v15;
	v15 =	vadd.s32 v3, v7;
	[tilespmem:v24+s21+$0x0] =	vst.idx.msk $0xffff, v23;
	v14 =	vld [tilespmem:s0+$0x10]  }
.LBB2_11:
0xa9: {  	p2 =	slt.u32 s6, $0x7E;
	v22 =	vld [tilespmem:s15+$0xFFFFFFC0];
	v23 =	vadd.s32 v1, v18;
	v21 =	vand.u32 $0x7F, v21;
	[tilespmem:v12+s21+$0x0] =	vst.idx.msk $0xffff, v10  }
0xaa: {  	[tilespmem:v17+s21+$0x0] =	vst.idx.msk $0xffff, v16;
	v24 =	vld [tilespmem:s16+$0x0];
	v25 =	vadd.s32 v1, v21  }
0xab: {  	v27 =	vadd.s32 v5, v8;
	v8 =	vmov v13;
	v13 =	vmov v18;
	v26 =	vld [tilespmem:s17+$0xFFFFFFF0];
	[tilespmem:v11+s21+$0x0] =	vst.idx.msk $0xffff, v9  }
.Ltmp4:
0xac: {  	v12 =	vadd.s32 v5, v6;
	v6 =	vmov v7;
	v7 =	vmov v21;
	[tilespmem:v20+s21+$0x0] =	vst.idx.msk $0xffff, v19;
	v10 =	vld [tilespmem:s30+$0x30];
	s30 =	smov.u32 s0;
	s0 =	smov.u32 s16;
	(pc) =	sbr.rel @p2 .LBB2_11-.Ltmp4, $4  }
0xad: {  	v17 =	vadd.s32 v4, v8;
	s16 =	smov.u32 s17;
	s17 =	smov.u32 s18;
	v16 =	vld [tilespmem:s18+$0xFFFFFFE0];
	[tilespmem:v15+s21+$0x0] =	vst.idx.msk $0xffff, v14;
	s18 =	smov.u32 s15  }
0xae: {  	v11 =	vadd.s32 v4, v6;
	[tilespmem:v23+s21+$0x0] =	vst.idx.msk $0xffff, v22;
	v9 =	vld [tilespmem:s30+$0x20]  }
0xaf: {  	s7 =	sadd.s32 $0x1, s31;
	s31 =	smov.u32 s4;
	s4 =	smov.u32 s5;
	v20 =	vadd.s32 v3, v13;
	v14 =	vmov s6;
	v19 =	vld [tilespmem:s15+$0xFFFFFFD0];
	[tilespmem:v25+s21+$0x0] =	vst.idx.msk $0xffff, v24  }
0xb0: {  	s5 =	smov.u32 s6;
	v21 =	vmov s7;
	v15 =	vadd.s32 v3, v7;
	s6 =	sadd.s32 $0x2, s6;
	v18 =	vand.u32 $0x7E, v14;
	s15 =	sadd.s32 $0x80, s15;
	[tilespmem:v27+s21+$0x0] =	vst.idx.msk $0xffff, v26;
	v14 =	vld [tilespmem:s0+$0x10]  }
0xb1: {  	v22 =	vld [tilespmem:s15+$0xFFFFFFC0];
	v23 =	vadd.s32 v1, v18;
	_ =	sdelay $0x4  }
0xb2: {  	[tilespmem:v23+s21+$0x0] =	vst.idx.msk $0xffff, v22  }
0xb3: {  	v29 =	vadd.s32 v3, v18;
	v22 =	vld [tilespmem:s15+$0xFFFFFFD0];
	_ =	sdelay $0x3  }
0xb4: {  	[tilespmem:v20+s21+$0x0] =	vst.idx.msk $0xffff, v19  }
0xb5: {  	v30 =	vadd.s32 v4, v13;
	v19 =	vld [tilespmem:s18+$0xFFFFFFE0];
	[tilespmem:v29+s21+$0x0] =	vst.idx.msk $0xffff, v22  }
0xb6: {  	v31 =	vadd.s32 v4, v18;
	v22 =	vld [tilespmem:s15+$0xFFFFFFE0];
	_ =	sdelay $0x2  }
0xb7: {  	[tilespmem:v17+s21+$0x0] =	vst.idx.msk $0xffff, v16  }
0xb8: {  	v8 =	vadd.s32 v5, v8;
	v16 =	vld [tilespmem:s17+$0xFFFFFFF0];
	[tilespmem:v30+s21+$0x0] =	vst.idx.msk $0xffff, v19  }
0xb9: {  	v33 =	vadd.s32 v5, v13;
	v32 =	vld [tilespmem:s18+$0xFFFFFFF0];
	[tilespmem:v31+s21+$0x0] =	vst.idx.msk $0xffff, v22  }
0xba: {  	v35 =	vadd.s32 v5, v18;
	v34 =	vld [tilespmem:s15+$0xFFFFFFF0]  }
0xbb: {  	s6 =	sadd.s32 $0x1, s31  }
0xbc: {  	v36 =	vand.u32 $0x7F, v21;
	s4 =	sadd.s32 $0x1, s4;
	v37 =	vmov s6  }
0xbd: {  	v38 =	vld [tilespmem:s16+$0x0];
	s7 =	sadd.s32 $0x1, s5;
	v39 =	vadd.s32 v1, v36;
	v41 =	vmov s4;
	v40 =	vand.u32 $0x7F, v37;
	[tilespmem:v8+s21+$0x0] =	vst.idx.msk $0xffff, v16  }
0xbe: {  	v44 =	vmov s7;
	v43 =	vand.u32 $0x7F, v41;
	v24 =	vadd.s32 v1, v40;
	v42 =	vld [tilespmem:s17+$0x0];
	[tilespmem:v33+s21+$0x0] =	vst.idx.msk $0xffff, v32  }
0xbf: {  	v25 =	vadd.s32 v1, v43;
	v16 =	vand.u32 $0x7F, v44;
	v17 =	vld [tilespmem:s18+$0x0];
	[tilespmem:v35+s21+$0x0] =	vst.idx.msk $0xffff, v34  }
0xc0: {  	v45 =	vadd.s32 v1, v16;
	v18 =	vld [tilespmem:s15+$0x0];
	_ =	sdelay $0x1  }
0xc1: {  	[tilespmem:v39+s21+$0x0] =	vst.idx.msk $0xffff, v38  }
0xc2: {  	v47 =	vadd.s32 v3, v36;
	v46 =	vld [tilespmem:s16+$0x10];
	[tilespmem:v24+s21+$0x0] =	vst.idx.msk $0xffff, v42  }
0xc3: {  	v49 =	vadd.s32 v3, v40;
	v48 =	vld [tilespmem:s17+$0x10];
	[tilespmem:v25+s21+$0x0] =	vst.idx.msk $0xffff, v17  }
0xc4: {  	v51 =	vadd.s32 v3, v43;
	v50 =	vld [tilespmem:s18+$0x10];
	[tilespmem:v45+s21+$0x0] =	vst.idx.msk $0xffff, v18  }
0xc5: {  	[tilespmem:v12+s21+$0x0] =	vst.idx.msk $0xffff, v10;
	v53 =	vadd.s32 v3, v16;
	v52 =	vld [tilespmem:s15+$0x10]  }
0xc6: {  	[tilespmem:v15+s21+$0x0] =	vst.idx.msk $0xffff, v14  }
0xc7: {  	v54 =	vadd.s32 v4, v7;
	v14 =	vld [tilespmem:s0+$0x20];
	[tilespmem:v47+s21+$0x0] =	vst.idx.msk $0xffff, v46  }
0xc8: {  	v55 =	vadd.s32 v4, v36;
	v21 =	vld [tilespmem:s16+$0x20];
	[tilespmem:v49+s21+$0x0] =	vst.idx.msk $0xffff, v48  }
0xc9: {  	v56 =	vadd.s32 v4, v40;
	v17 =	vld [tilespmem:s17+$0x20];
	[tilespmem:v51+s21+$0x0] =	vst.idx.msk $0xffff, v50  }
0xca: {  	v57 =	vadd.s32 v4, v43;
	v18 =	vld [tilespmem:s18+$0x20];
	[tilespmem:v53+s21+$0x0] =	vst.idx.msk $0xffff, v52  }
0xcb: {  	[tilespmem:v11+s21+$0x0] =	vst.idx.msk $0xffff, v9;
	v59 =	vadd.s32 v4, v16;
	v58 =	vld [tilespmem:s15+$0x20]  }
0xcc: {  	v6 =	vadd.s32 v5, v6;
	v11 =	vld [tilespmem:s30+$0x30];
	[tilespmem:v54+s21+$0x0] =	vst.idx.msk $0xffff, v14  }
0xcd: {  	v7 =	vadd.s32 v5, v7;
	v60 =	vld [tilespmem:s0+$0x30];
	[tilespmem:v55+s21+$0x0] =	vst.idx.msk $0xffff, v21  }
0xce: {  	v62 =	vadd.s32 v5, v36;
	v61 =	vld [tilespmem:s16+$0x30];
	[tilespmem:v56+s21+$0x0] =	vst.idx.msk $0xffff, v17  }
0xcf: {  	v8 =	vadd.s32 v5, v40;
	v17 =	vld [tilespmem:s17+$0x30];
	[tilespmem:v57+s21+$0x0] =	vst.idx.msk $0xffff, v18  }
0xd0: {  	v13 =	vadd.s32 v5, v43;
	v18 =	vld [tilespmem:s18+$0x30];
	[tilespmem:v59+s21+$0x0] =	vst.idx.msk $0xffff, v58  }
0xd1: {  	[tilespmem:v6+s21+$0x0] =	vst.idx.msk $0xffff, v11;
	v63 =	vadd.s32 v5, v16;
	v6 =	vld [tilespmem:s15+$0x30]  }
0xd2: {  	[tilespmem:v7+s21+$0x0] =	vst.idx.msk $0xffff, v60  }
0xd3: {  	[tilespmem:v62+s21+$0x0] =	vst.idx.msk $0xffff, v61  }
0xd4: {  	p2 =	seq.s32 s29, $0x63;
	[tilespmem:v8+s21+$0x0] =	vst.idx.msk $0xffff, v17  }
0xd5: {  	s8 =	sshll.u32 s29, $0x10;
	s4 =	simm.s32 @!p2 $0x80;
	s30 =	sshrl.u32 @!p2 s19, $0x2;
	[tilespmem:v13+s21+$0x0] =	vst.idx.msk $0xffff, v18  }
0xd6: {  	s5 =	simm.s32 @!p2 $0x8CA0;
	s31 =	sor.u32 s9, s8;
	s0 =	sadd.s32 @!p2 $0x29A0, s30;
	[tilespmem:v63+s21+$0x0] =	vst.idx.msk $0xffff, v6  }
0xd7: {  	[tilespmem:s5], [sflag:$0x1] =	stream.indirect.gather @!p2 [spmem:s2], $0x40, s0, s4, $0xb8;
	[tilespmem:$0x110A0] =	vst v63  }
0xd8: {  	s15 =	simm.s32 $0xCCA0;
	s4 =	sadd.s32 s1, s31  }
0xd9: {  	[hbm4b:s4+s3] =	stream.linear.scatter [tilespmem:s15], [sflag:$0x3], $0x80, $0x38;
	[tilespmem:$0x110A0] =	vst v63  }
0xda: {  	s16 =	simm.s32 $0xCD28;
	s17 =	sadd.s32 $0x10, s4  }
0xdb: {  	[hbm4b:s17+s3] =	stream.linear.scatter [tilespmem:s16], [sflag:$0x3], $0x80, $0x38;
	[tilespmem:$0x110A0] =	vst v63  }
0xdc: {  	s6 =	simm.s32 $0xCE38;
	s18 =	simm.s32 $0xCDB0;
	s19 =	sadd.s32 $0x20, s4  }
0xdd: {  	[hbm4b:s19+s3] =	stream.linear.scatter [tilespmem:s18], [sflag:$0x3], $0x80, $0x38;
	[tilespmem:$0x110A0] =	vst v63  }
0xde: {  	s8 =	simm.s32 $0xCEC0;
	s0 =	simm.s32 $0x440;
	s7 =	sadd.s32 $0x30, s4  }
0xdf: {  	[hbm4b:s7+s3] =	stream.linear.scatter [tilespmem:s6], [sflag:$0x3], $0x80, $0x38;
	[tilespmem:$0x110A0] =	vst v63  }
0xe0: {  	s5 =	simm.s32 $0x2200;
	s15 =	sadd.s32 $0x40, s4;
	s16 =	simm.s32 $0xCF48  }
0xe1: {  	[hbm4b:s15+s3] =	stream.linear.scatter [tilespmem:s8], [sflag:$0x3], $0x80, $0x38;
	[tilespmem:$0x110A0] =	vst v63  }
0xe2: {  	s17 =	sadd.s32 $0x50, s4;
	s18 =	simm.s32 $0xCFD0;
	s19 =	sadd.s32 $0x60, s4  }
0xe3: {  	[hbm4b:s17+s3] =	stream.linear.scatter [tilespmem:s16], [sflag:$0x3], $0x80, $0x38;
	[tilespmem:$0x110A0] =	vst v63  }
0xe4: {  	s6 =	simm.s32 $0xD058;
	s7 =	sadd.s32 $0x70, s4;
	s4 =	sadd.s32 $0x1000, s4  }
0xe5: {  	[hbm4b:s19+s3] =	stream.linear.scatter [tilespmem:s18], [sflag:$0x3], $0x80, $0x38;
	[tilespmem:$0x110A0] =	vst v63  }
.LBB2_13:
0xe6: {  	[hbm4b:s7+s3] =	stream.linear.scatter [tilespmem:s6], [sflag:$0x3], $0x80, $0x38;
	[tilespmem:$0x110A0] =	vst v63  }
0xe7: {  	s6 =	smov.u32 s0;
	s0 =	smov.u32 s5  }
0xe8: {  	s15 =	sadd.s32 $0x1100, s5;
	s0 =	sshra.s32 s0, $0x2;
	s7 =	sadd.s32 $0xCCA0, s6  }
0xe9: {  	[hbm4b:s4+s3] =	stream.linear.scatter [tilespmem:s7], [sflag:$0x3], $0x80, $0x38;
	[tilespmem:$0x110A0] =	vst v63  }
0xea: {  	p3 =	sne.s32 s5, $0x7700;
	s5 =	sadd.s32 $0xCD28, s6;
	s7 =	sadd.s32 $0x10, s4  }
0xeb: {  	[hbm4b:s7+s3] =	stream.linear.scatter [tilespmem:s5], [sflag:$0x3], $0x80, $0x38;
	[tilespmem:$0x110A0] =	vst v63  }
0xec: {  	s5 =	sadd.s32 $0xCDB0, s6;
	s7 =	sadd.s32 $0x20, s4  }
0xed: {  	[hbm4b:s7+s3] =	stream.linear.scatter [tilespmem:s5], [sflag:$0x3], $0x80, $0x38;
	[tilespmem:$0x110A0] =	vst v63  }
0xee: {  	s5 =	sadd.s32 $0xCE38, s6;
	s7 =	sadd.s32 $0x30, s4  }
0xef: {  	[hbm4b:s7+s3] =	stream.linear.scatter [tilespmem:s5], [sflag:$0x3], $0x80, $0x38;
	[tilespmem:$0x110A0] =	vst v63  }
0xf0: {  	s5 =	sadd.s32 $0xCEC0, s6;
	s7 =	sadd.s32 $0x40, s4  }
0xf1: {  	[hbm4b:s7+s3] =	stream.linear.scatter [tilespmem:s5], [sflag:$0x3], $0x80, $0x38;
	[tilespmem:$0x110A0] =	vst v63  }
.Ltmp5:
0xf2: {  	s5 =	sadd.s32 $0xCF48, s6;
	s7 =	sadd.s32 $0x50, s4;
	(pc) =	sbr.rel @p3 .LBB2_13-.Ltmp5, $4  }
0xf3: {  	[hbm4b:s7+s3] =	stream.linear.scatter [tilespmem:s5], [sflag:$0x3], $0x80, $0x38;
	[tilespmem:$0x110A0] =	vst v63  }
0xf4: {  	s5 =	sadd.s32 $0xCFD0, s6;
	s7 =	sadd.s32 $0x60, s4;
	s6 =	sadd.s32 $0xD058, s6  }
0xf5: {  	[hbm4b:s7+s3] =	stream.linear.scatter [tilespmem:s5], [sflag:$0x3], $0x80, $0x38;
	[tilespmem:$0x110A0] =	vst v63  }
0xf6: {  	s7 =	sadd.s32 $0x70, s4;
	s4 =	sadd.s32 $0x1000, s4;
	s5 =	smov.u32 s15  }
0xf7: {  	[hbm4b:s7+s3] =	stream.linear.scatter [tilespmem:s6], [sflag:$0x3], $0x80, $0x38;
	[tilespmem:$0x110A0] =	vst v63  }
0xf8: {  	s5 =	sadd.s32 $0xCCA0, s0  }
0xf9: {  	[hbm4b:s4+s3] =	stream.linear.scatter [tilespmem:s5], [sflag:$0x3], $0x80, $0x38;
	[tilespmem:$0x110A0] =	vst v63  }
0xfa: {  	s18 =	sadd.s32 $0xCD28, s0;
	s19 =	sadd.s32 $0x10, s4  }
0xfb: {  	[hbm4b:s19+s3] =	stream.linear.scatter [tilespmem:s18], [sflag:$0x3], $0x80, $0x38;
	[tilespmem:$0x110A0] =	vst v63  }
0xfc: {  	s6 =	sadd.s32 $0xCDB0, s0;
	s7 =	sadd.s32 $0x20, s4  }
0xfd: {  	[hbm4b:s7+s3] =	stream.linear.scatter [tilespmem:s6], [sflag:$0x3], $0x80, $0x38;
	[tilespmem:$0x110A0] =	vst v63  }
0xfe: {  	s8 =	sadd.s32 $0xCE38, s0;
	s15 =	sadd.s32 $0x30, s4  }
0xff: {  	[hbm4b:s15+s3] =	stream.linear.scatter [tilespmem:s8], [sflag:$0x3], $0x80, $0x38;
	[tilespmem:$0x110A0] =	vst v63  }
0x100: {  	s16 =	sadd.s32 $0xCEC0, s0;
	s17 =	sadd.s32 $0x40, s4  }
0x101: {  	[hbm4b:s17+s3] =	stream.linear.scatter [tilespmem:s16], [sflag:$0x3], $0x80, $0x38;
	[tilespmem:$0x110A0] =	vst v63  }
0x102: {  	s18 =	sadd.s32 $0xCF48, s0;
	s19 =	sadd.s32 $0x50, s4  }
0x103: {  	[hbm4b:s19+s3] =	stream.linear.scatter [tilespmem:s18], [sflag:$0x3], $0x80, $0x38;
	[tilespmem:$0x110A0] =	vst v63  }
0x104: {  	s6 =	sadd.s32 $0xCFD0, s0;
	s7 =	sadd.s32 $0x60, s4  }
0x105: {  	[hbm4b:s7+s3] =	stream.linear.scatter [tilespmem:s6], [sflag:$0x3], $0x80, $0x38;
	[tilespmem:$0x110A0] =	vst v63  }
0x106: {  	s8 =	sadd.s32 $0xD058, s0;
	s15 =	sadd.s32 $0x70, s4  }
0x107: {  	[hbm4b:s15+s3] =	stream.linear.scatter [tilespmem:s8], [sflag:$0x3], $0x80, $0x38;
	[tilespmem:$0x110A0] =	vst v63  }
0x108: {  	_ =	swait.ge [sflag:s22], $0x2000  }
0x109: {  	[sflag:s22] =	ssyncset.done $0x0  }
0x10a: {  	s0 =	simm.s32 @!p1 $0x4;
	[sflag:s22] =	ssyncadd.s32 $0xFFFFE000  }
0x10b: {  	s16 =	simm.s32 $0x0;
	_ =	swait.ge @!p1 [sflag:s0], $0x2000  }
0x10c: {  	v6 =	vmov s16;
	[sflag:s0] =	ssyncset.done @!p1 $0x0  }
0x10d: {  	s4 =	simm.s32 $0xACE0;
	v6 =	vand.u32 $0x7E, v6;
	[sflag:s0] =	ssyncadd.s32 @!p1 $0xFFFFE000  }
0x10e: {  	v8 =	vadd.s32 v1, v6;
	v7 =	vld [tilespmem:s4+$0xFFFFFFC0];
	_ =	sdelay $0x4  }
0x10f: {  	s17 =	simm.s32 $0x2;
	[tilespmem:v8+s23+$0x0] =	vst.idx.msk $0xffff, v7  }
0x110: {  	v9 =	vadd.s32 v3, v6;
	v7 =	vmov s17;
	v8 =	vld [tilespmem:s4+$0xFFFFFFD0]  }
0x111: {  	s0 =	simm.s32 $0xAD60;
	v7 =	vand.u32 $0x7E, v7  }
0x112: {  	v10 =	vld [tilespmem:s0+$0xFFFFFFC0];
	v11 =	vadd.s32 v1, v7;
	_ =	sdelay $0x2  }
0x113: {  	[tilespmem:v9+s23+$0x0] =	vst.idx.msk $0xffff, v8  }
0x114: {  	v9 =	vadd.s32 v4, v6;
	v8 =	vld [tilespmem:s4+$0xFFFFFFE0]  }
0x115: {  	s18 =	simm.s32 $0x4;
	[tilespmem:v11+s23+$0x0] =	vst.idx.msk $0xffff, v10  }
0x116: {  	v12 =	vadd.s32 v3, v7;
	v10 =	vmov s18;
	v11 =	vld [tilespmem:s0+$0xFFFFFFD0]  }
0x117: {  	s16 =	simm.s32 $0xADE0;
	v10 =	vand.u32 $0x7E, v10  }
0x118: {  	v13 =	vld [tilespmem:s16+$0xFFFFFFC0];
	v14 =	vadd.s32 v1, v10  }
0x119: {  	[tilespmem:v9+s23+$0x0] =	vst.idx.msk $0xffff, v8  }
0x11a: {  	v6 =	vadd.s32 v5, v6;
	v8 =	vld [tilespmem:s4+$0xFFFFFFF0]  }
0x11b: {  	[tilespmem:v12+s23+$0x0] =	vst.idx.msk $0xffff, v11  }
0x11c: {  	s19 =	simm.s32 $0x6;
	v11 =	vadd.s32 v4, v7;
	v9 =	vld [tilespmem:s0+$0xFFFFFFE0]  }
0x11d: {  	s6 =	simm.s32 $0x1;
	v12 =	vmov s19;
	[tilespmem:v14+s23+$0x0] =	vst.idx.msk $0xffff, v13  }
0x11e: {  	v15 =	vmov s6;
	s17 =	simm.s32 $0xAE60;
	v14 =	vadd.s32 v3, v10;
	v12 =	vand.u32 $0x7E, v12;
	v13 =	vld [tilespmem:s16+$0xFFFFFFD0]  }
0x11f: {  	v15 =	vand.u32 $0x7F, v15;
	[tilespmem:v6+s23+$0x0] =	vst.idx.msk $0xffff, v8;
	v6 =	vld [tilespmem:s17+$0xFFFFFFC0];
	v8 =	vadd.s32 v1, v12  }
0x120: {  	v17 =	vadd.s32 v1, v15;
	v16 =	vld [tilespmem:s4+$0x0]  }
0x121: {  	[tilespmem:v11+s23+$0x0] =	vst.idx.msk $0xffff, v9  }
0x122: {  	v7 =	vadd.s32 v5, v7;
	v9 =	vld [tilespmem:s0+$0xFFFFFFF0]  }
0x123: {  	[tilespmem:v14+s23+$0x0] =	vst.idx.msk $0xffff, v13  }
0x124: {  	s15 =	simm.s32 $0x8;
	v13 =	vadd.s32 v4, v10;
	v11 =	vld [tilespmem:s16+$0xFFFFFFE0];
	[tilespmem:v8+s23+$0x0] =	vst.idx.msk $0xffff, v6  }
0x125: {  	s7 =	simm.s32 $0x3;
	v18 =	vadd.s32 v3, v12;
	v6 =	vmov s15;
	v14 =	vld [tilespmem:s17+$0xFFFFFFD0];
	[tilespmem:v17+s23+$0x0] =	vst.idx.msk $0xffff, v16  }
0x126: {  	s18 =	simm.s32 $0xAEE0;
	v8 =	vand.u32 $0x7E, v6;
	v6 =	vmov s7;
	v17 =	vadd.s32 v3, v15;
	v16 =	vld [tilespmem:s4+$0x10]  }
0x127: {  	[tilespmem:v7+s23+$0x0] =	vst.idx.msk $0xffff, v9;
	v7 =	vld [tilespmem:s18+$0xFFFFFFC0];
	v9 =	vadd.s32 v1, v8;
	v6 =	vand.u32 $0x7F, v6  }
0x128: {  	v19 =	vld [tilespmem:s0+$0x0];
	v20 =	vadd.s32 v1, v6  }
0x129: {  	[tilespmem:v13+s23+$0x0] =	vst.idx.msk $0xffff, v11  }
0x12a: {  	v10 =	vadd.s32 v5, v10;
	v11 =	vld [tilespmem:s16+$0xFFFFFFF0];
	[tilespmem:v18+s23+$0x0] =	vst.idx.msk $0xffff, v14  }
0x12b: {  	v18 =	vadd.s32 v4, v12;
	v14 =	vld [tilespmem:s17+$0xFFFFFFE0];
	[tilespmem:v17+s23+$0x0] =	vst.idx.msk $0xffff, v16  }
0x12c: {  	s5 =	simm.s32 $0xA;
	[tilespmem:v9+s23+$0x0] =	vst.idx.msk $0xffff, v7;
	v16 =	vadd.s32 v4, v15;
	v9 =	vld [tilespmem:s4+$0x20]  }
0x12d: {  	s8 =	simm.s32 $0x5;
	v21 =	vadd.s32 v3, v8;
	v7 =	vmov s5;
	v17 =	vld [tilespmem:s18+$0xFFFFFFD0];
	[tilespmem:v20+s23+$0x0] =	vst.idx.msk $0xffff, v19  }
0x12e: {  	s19 =	simm.s32 $0xAF60;
	v13 =	vand.u32 $0x7E, v7;
	v7 =	vmov s8;
	v20 =	vadd.s32 v3, v6;
	v19 =	vld [tilespmem:s0+$0x10]  }
0x12f: {  	[tilespmem:v10+s23+$0x0] =	vst.idx.msk $0xffff, v11;
	v11 =	vld [tilespmem:s19+$0xFFFFFFC0];
	v22 =	vadd.s32 v1, v13;
	v7 =	vand.u32 $0x7F, v7  }
0x130: {  	[tilespmem:v18+s23+$0x0] =	vst.idx.msk $0xffff, v14;
	v14 =	vld [tilespmem:s16+$0x0];
	v18 =	vadd.s32 v1, v7  }
0x131: {  	v24 =	vadd.s32 v5, v12;
	v23 =	vld [tilespmem:s17+$0xFFFFFFF0];
	[tilespmem:v16+s23+$0x0] =	vst.idx.msk $0xffff, v9  }
0x132: {  	v12 =	vadd.s32 v5, v15;
	[tilespmem:v21+s23+$0x0] =	vst.idx.msk $0xffff, v17;
	v10 =	vld [tilespmem:s4+$0x30]  }
0x133: {  	v17 =	vadd.s32 v4, v8;
	v16 =	vld [tilespmem:s18+$0xFFFFFFE0];
	[tilespmem:v20+s23+$0x0] =	vst.idx.msk $0xffff, v19  }
0x134: {  	s6 =	simm.s32 $0xC;
	[tilespmem:v22+s23+$0x0] =	vst.idx.msk $0xffff, v11;
	v11 =	vadd.s32 v4, v6;
	v9 =	vld [tilespmem:s0+$0x20]  }
0x135: {  	v15 =	vmov s6;
	s8 =	simm.s32 $0x7;
	v20 =	vadd.s32 v3, v13;
	v19 =	vld [tilespmem:s19+$0xFFFFFFD0];
	[tilespmem:v18+s23+$0x0] =	vst.idx.msk $0xffff, v14  }
0x136: {  	s7 =	simm.s32 $0xE;
	v21 =	vmov s8;
	s4 =	simm.s32 $0xAFE0;
	v18 =	vand.u32 $0x7E, v15;
	v15 =	vadd.s32 v3, v7;
	[tilespmem:v24+s23+$0x0] =	vst.idx.msk $0xffff, v23;
	v14 =	vld [tilespmem:s16+$0x10]  }
.LBB2_15:
0x137: {  	p1 =	slt.u32 s7, $0x7E;
	v22 =	vld [tilespmem:s4+$0xFFFFFFC0];
	v23 =	vadd.s32 v1, v18;
	v21 =	vand.u32 $0x7F, v21;
	[tilespmem:v12+s23+$0x0] =	vst.idx.msk $0xffff, v10  }
0x138: {  	[tilespmem:v17+s23+$0x0] =	vst.idx.msk $0xffff, v16;
	v24 =	vld [tilespmem:s17+$0x0];
	v25 =	vadd.s32 v1, v21  }
0x139: {  	v27 =	vadd.s32 v5, v8;
	v8 =	vmov v13;
	v13 =	vmov v18;
	v26 =	vld [tilespmem:s18+$0xFFFFFFF0];
	[tilespmem:v11+s23+$0x0] =	vst.idx.msk $0xffff, v9  }
.Ltmp6:
0x13a: {  	v12 =	vadd.s32 v5, v6;
	v6 =	vmov v7;
	v7 =	vmov v21;
	[tilespmem:v20+s23+$0x0] =	vst.idx.msk $0xffff, v19;
	v10 =	vld [tilespmem:s0+$0x30];
	s0 =	smov.u32 s16;
	s16 =	smov.u32 s17;
	(pc) =	sbr.rel @p1 .LBB2_15-.Ltmp6, $4  }
0x13b: {  	v17 =	vadd.s32 v4, v8;
	s17 =	smov.u32 s18;
	s18 =	smov.u32 s19;
	v16 =	vld [tilespmem:s19+$0xFFFFFFE0];
	[tilespmem:v15+s23+$0x0] =	vst.idx.msk $0xffff, v14;
	s19 =	smov.u32 s4  }
0x13c: {  	v11 =	vadd.s32 v4, v6;
	[tilespmem:v23+s23+$0x0] =	vst.idx.msk $0xffff, v22;
	v9 =	vld [tilespmem:s0+$0x20]  }
0x13d: {  	s8 =	sadd.s32 $0x1, s15;
	s15 =	smov.u32 s5;
	s5 =	smov.u32 s6;
	v20 =	vadd.s32 v3, v13;
	v14 =	vmov s7;
	v19 =	vld [tilespmem:s4+$0xFFFFFFD0];
	[tilespmem:v25+s23+$0x0] =	vst.idx.msk $0xffff, v24  }
0x13e: {  	s6 =	smov.u32 s7;
	v21 =	vmov s8;
	v15 =	vadd.s32 v3, v7;
	s7 =	sadd.s32 $0x2, s7;
	v18 =	vand.u32 $0x7E, v14;
	s4 =	sadd.s32 $0x80, s4;
	[tilespmem:v27+s23+$0x0] =	vst.idx.msk $0xffff, v26;
	v14 =	vld [tilespmem:s16+$0x10]  }
0x13f: {  	v22 =	vld [tilespmem:s4+$0xFFFFFFC0];
	v23 =	vadd.s32 v1, v18;
	_ =	sdelay $0x4  }
0x140: {  	[tilespmem:v23+s23+$0x0] =	vst.idx.msk $0xffff, v22  }
0x141: {  	v29 =	vadd.s32 v3, v18;
	v22 =	vld [tilespmem:s4+$0xFFFFFFD0];
	_ =	sdelay $0x3  }
0x142: {  	[tilespmem:v20+s23+$0x0] =	vst.idx.msk $0xffff, v19  }
0x143: {  	v30 =	vadd.s32 v4, v13;
	v19 =	vld [tilespmem:s19+$0xFFFFFFE0];
	[tilespmem:v29+s23+$0x0] =	vst.idx.msk $0xffff, v22  }
0x144: {  	v31 =	vadd.s32 v4, v18;
	v22 =	vld [tilespmem:s4+$0xFFFFFFE0];
	_ =	sdelay $0x2  }
0x145: {  	[tilespmem:v17+s23+$0x0] =	vst.idx.msk $0xffff, v16  }
0x146: {  	v8 =	vadd.s32 v5, v8;
	v16 =	vld [tilespmem:s18+$0xFFFFFFF0];
	[tilespmem:v30+s23+$0x0] =	vst.idx.msk $0xffff, v19  }
0x147: {  	v33 =	vadd.s32 v5, v13;
	v32 =	vld [tilespmem:s19+$0xFFFFFFF0];
	[tilespmem:v31+s23+$0x0] =	vst.idx.msk $0xffff, v22  }
0x148: {  	v35 =	vadd.s32 v5, v18;
	v34 =	vld [tilespmem:s4+$0xFFFFFFF0]  }
0x149: {  	s7 =	sadd.s32 $0x1, s15  }
0x14a: {  	v36 =	vand.u32 $0x7F, v21;
	s5 =	sadd.s32 $0x1, s5;
	v37 =	vmov s7  }
0x14b: {  	v38 =	vld [tilespmem:s17+$0x0];
	s15 =	sadd.s32 $0x1, s6;
	v39 =	vadd.s32 v1, v36;
	v41 =	vmov s5;
	v40 =	vand.u32 $0x7F, v37;
	[tilespmem:v8+s23+$0x0] =	vst.idx.msk $0xffff, v16  }
0x14c: {  	v44 =	vmov s15;
	v43 =	vand.u32 $0x7F, v41;
	v24 =	vadd.s32 v1, v40;
	v42 =	vld [tilespmem:s18+$0x0];
	[tilespmem:v33+s23+$0x0] =	vst.idx.msk $0xffff, v32  }
0x14d: {  	v25 =	vadd.s32 v1, v43;
	v16 =	vand.u32 $0x7F, v44;
	v17 =	vld [tilespmem:s19+$0x0];
	[tilespmem:v35+s23+$0x0] =	vst.idx.msk $0xffff, v34  }
0x14e: {  	v45 =	vadd.s32 v1, v16;
	v18 =	vld [tilespmem:s4+$0x0];
	_ =	sdelay $0x1  }
0x14f: {  	[tilespmem:v39+s23+$0x0] =	vst.idx.msk $0xffff, v38  }
0x150: {  	v47 =	vadd.s32 v3, v36;
	v46 =	vld [tilespmem:s17+$0x10];
	[tilespmem:v24+s23+$0x0] =	vst.idx.msk $0xffff, v42  }
0x151: {  	v49 =	vadd.s32 v3, v40;
	v48 =	vld [tilespmem:s18+$0x10];
	[tilespmem:v25+s23+$0x0] =	vst.idx.msk $0xffff, v17  }
0x152: {  	v51 =	vadd.s32 v3, v43;
	v50 =	vld [tilespmem:s19+$0x10];
	[tilespmem:v45+s23+$0x0] =	vst.idx.msk $0xffff, v18  }
0x153: {  	[tilespmem:v12+s23+$0x0] =	vst.idx.msk $0xffff, v10;
	v53 =	vadd.s32 v3, v16;
	v52 =	vld [tilespmem:s4+$0x10]  }
0x154: {  	[tilespmem:v15+s23+$0x0] =	vst.idx.msk $0xffff, v14  }
0x155: {  	v54 =	vadd.s32 v4, v7;
	v14 =	vld [tilespmem:s16+$0x20];
	[tilespmem:v47+s23+$0x0] =	vst.idx.msk $0xffff, v46  }
0x156: {  	v55 =	vadd.s32 v4, v36;
	v21 =	vld [tilespmem:s17+$0x20];
	[tilespmem:v49+s23+$0x0] =	vst.idx.msk $0xffff, v48  }
0x157: {  	v56 =	vadd.s32 v4, v40;
	v17 =	vld [tilespmem:s18+$0x20];
	[tilespmem:v51+s23+$0x0] =	vst.idx.msk $0xffff, v50  }
0x158: {  	v57 =	vadd.s32 v4, v43;
	v18 =	vld [tilespmem:s19+$0x20];
	[tilespmem:v53+s23+$0x0] =	vst.idx.msk $0xffff, v52  }
0x159: {  	[tilespmem:v11+s23+$0x0] =	vst.idx.msk $0xffff, v9;
	v59 =	vadd.s32 v4, v16;
	v58 =	vld [tilespmem:s4+$0x20]  }
0x15a: {  	v6 =	vadd.s32 v5, v6;
	v11 =	vld [tilespmem:s0+$0x30];
	[tilespmem:v54+s23+$0x0] =	vst.idx.msk $0xffff, v14  }
0x15b: {  	v7 =	vadd.s32 v5, v7;
	v60 =	vld [tilespmem:s16+$0x30];
	[tilespmem:v55+s23+$0x0] =	vst.idx.msk $0xffff, v21  }
0x15c: {  	v62 =	vadd.s32 v5, v36;
	v61 =	vld [tilespmem:s17+$0x30];
	[tilespmem:v56+s23+$0x0] =	vst.idx.msk $0xffff, v17  }
0x15d: {  	v8 =	vadd.s32 v5, v40;
	v17 =	vld [tilespmem:s18+$0x30];
	[tilespmem:v57+s23+$0x0] =	vst.idx.msk $0xffff, v18  }
0x15e: {  	v13 =	vadd.s32 v5, v43;
	v18 =	vld [tilespmem:s19+$0x30];
	[tilespmem:v59+s23+$0x0] =	vst.idx.msk $0xffff, v58  }
0x15f: {  	[tilespmem:v6+s23+$0x0] =	vst.idx.msk $0xffff, v11;
	v63 =	vadd.s32 v5, v16;
	v6 =	vld [tilespmem:s4+$0x30]  }
0x160: {  	[tilespmem:v7+s23+$0x0] =	vst.idx.msk $0xffff, v60  }
0x161: {  	[tilespmem:v62+s23+$0x0] =	vst.idx.msk $0xffff, v61  }
0x162: {  	[tilespmem:v8+s23+$0x0] =	vst.idx.msk $0xffff, v17  }
0x163: {  	[tilespmem:v13+s23+$0x0] =	vst.idx.msk $0xffff, v18  }
0x164: {  	s5 =	simm.s32 @!p2 $0xACA0;
	s0 =	sadd.s32 @!p2 $0x2A20, s30;
	s4 =	simm.s32 @!p2 $0x80;
	[tilespmem:v63+s23+$0x0] =	vst.idx.msk $0xffff, v6  }
0x165: {  	[tilespmem:s5], [sflag:$0x2] =	stream.indirect.gather @!p2 [spmem:s2], $0x40, s0, s4, $0xb8;
	[tilespmem:$0x110A0] =	vst v63  }
0x166: {  	s19 =	simm.s32 $0xEEA0;
	s4 =	sadd.s32 s31, s10  }
0x167: {  	[hbm4b:s4+s3] =	stream.linear.scatter [tilespmem:s19], [sflag:$0x4], $0x80, $0x38;
	[tilespmem:$0x110A0] =	vst v63  }
0x168: {  	s30 =	simm.s32 $0xEF28;
	s31 =	sadd.s32 $0x10, s4  }
0x169: {  	[hbm4b:s31+s3] =	stream.linear.scatter [tilespmem:s30], [sflag:$0x4], $0x80, $0x38;
	[tilespmem:$0x110A0] =	vst v63  }
0x16a: {  	s6 =	simm.s32 $0xEFB0;
	s8 =	simm.s32 $0xF038;
	s7 =	sadd.s32 $0x20, s4  }
0x16b: {  	[hbm4b:s7+s3] =	stream.linear.scatter [tilespmem:s6], [sflag:$0x4], $0x80, $0x38;
	[tilespmem:$0x110A0] =	vst v63  }
0x16c: {  	s16 =	simm.s32 $0xF0C0;
	s18 =	simm.s32 $0xF148;
	s15 =	sadd.s32 $0x30, s4  }
0x16d: {  	[hbm4b:s15+s3] =	stream.linear.scatter [tilespmem:s8], [sflag:$0x4], $0x80, $0x38;
	[tilespmem:$0x110A0] =	vst v63  }
0x16e: {  	s0 =	simm.s32 $0x440;
	s5 =	simm.s32 $0x2200;
	s17 =	sadd.s32 $0x40, s4  }
0x16f: {  	[hbm4b:s17+s3] =	stream.linear.scatter [tilespmem:s16], [sflag:$0x4], $0x80, $0x38;
	[tilespmem:$0x110A0] =	vst v63  }
0x170: {  	s19 =	sadd.s32 $0x50, s4;
	s30 =	simm.s32 $0xF1D0;
	s31 =	sadd.s32 $0x60, s4  }
0x171: {  	[hbm4b:s19+s3] =	stream.linear.scatter [tilespmem:s18], [sflag:$0x4], $0x80, $0x38;
	[tilespmem:$0x110A0] =	vst v63  }
0x172: {  	s6 =	simm.s32 $0xF258;
	s7 =	sadd.s32 $0x70, s4;
	s4 =	sadd.s32 $0x1000, s4  }
0x173: {  	[hbm4b:s31+s3] =	stream.linear.scatter [tilespmem:s30], [sflag:$0x4], $0x80, $0x38;
	[tilespmem:$0x110A0] =	vst v63  }
.LBB2_17:
0x174: {  	[hbm4b:s7+s3] =	stream.linear.scatter [tilespmem:s6], [sflag:$0x4], $0x80, $0x38;
	[tilespmem:$0x110A0] =	vst v63  }
0x175: {  	s6 =	smov.u32 s0;
	s0 =	smov.u32 s5  }
0x176: {  	s8 =	sadd.s32 $0x1100, s5;
	s0 =	sshra.s32 s0, $0x2;
	s7 =	sadd.s32 $0xEEA0, s6  }
0x177: {  	[hbm4b:s4+s3] =	stream.linear.scatter [tilespmem:s7], [sflag:$0x4], $0x80, $0x38;
	[tilespmem:$0x110A0] =	vst v63  }
0x178: {  	p1 =	sne.s32 s5, $0x7700;
	s5 =	sadd.s32 $0xEF28, s6;
	s7 =	sadd.s32 $0x10, s4  }
0x179: {  	[hbm4b:s7+s3] =	stream.linear.scatter [tilespmem:s5], [sflag:$0x4], $0x80, $0x38;
	[tilespmem:$0x110A0] =	vst v63  }
0x17a: {  	s5 =	sadd.s32 $0xEFB0, s6;
	s7 =	sadd.s32 $0x20, s4  }
0x17b: {  	[hbm4b:s7+s3] =	stream.linear.scatter [tilespmem:s5], [sflag:$0x4], $0x80, $0x38;
	[tilespmem:$0x110A0] =	vst v63  }
0x17c: {  	s5 =	sadd.s32 $0xF038, s6;
	s7 =	sadd.s32 $0x30, s4  }
0x17d: {  	[hbm4b:s7+s3] =	stream.linear.scatter [tilespmem:s5], [sflag:$0x4], $0x80, $0x38;
	[tilespmem:$0x110A0] =	vst v63  }
0x17e: {  	s5 =	sadd.s32 $0xF0C0, s6;
	s7 =	sadd.s32 $0x40, s4  }
0x17f: {  	[hbm4b:s7+s3] =	stream.linear.scatter [tilespmem:s5], [sflag:$0x4], $0x80, $0x38;
	[tilespmem:$0x110A0] =	vst v63  }
.Ltmp7:
0x180: {  	s5 =	sadd.s32 $0xF148, s6;
	s7 =	sadd.s32 $0x50, s4;
	(pc) =	sbr.rel @p1 .LBB2_17-.Ltmp7, $4  }
0x181: {  	[hbm4b:s7+s3] =	stream.linear.scatter [tilespmem:s5], [sflag:$0x4], $0x80, $0x38;
	[tilespmem:$0x110A0] =	vst v63  }
0x182: {  	s5 =	sadd.s32 $0xF1D0, s6;
	s7 =	sadd.s32 $0x60, s4;
	s6 =	sadd.s32 $0xF258, s6  }
0x183: {  	[hbm4b:s7+s3] =	stream.linear.scatter [tilespmem:s5], [sflag:$0x4], $0x80, $0x38;
	[tilespmem:$0x110A0] =	vst v63  }
0x184: {  	s7 =	sadd.s32 $0x70, s4;
	s4 =	sadd.s32 $0x1000, s4;
	s5 =	smov.u32 s8  }
0x185: {  	[hbm4b:s7+s3] =	stream.linear.scatter [tilespmem:s6], [sflag:$0x4], $0x80, $0x38;
	[tilespmem:$0x110A0] =	vst v63  }
0x186: {  	s5 =	sadd.s32 $0xEEA0, s0  }
0x187: {  	[hbm4b:s4+s3] =	stream.linear.scatter [tilespmem:s5], [sflag:$0x4], $0x80, $0x38;
	[tilespmem:$0x110A0] =	vst v63  }
0x188: {  	s18 =	sadd.s32 $0xEF28, s0;
	s19 =	sadd.s32 $0x10, s4  }
0x189: {  	[hbm4b:s19+s3] =	stream.linear.scatter [tilespmem:s18], [sflag:$0x4], $0x80, $0x38;
	[tilespmem:$0x110A0] =	vst v63  }
0x18a: {  	s30 =	sadd.s32 $0xEFB0, s0;
	s31 =	sadd.s32 $0x20, s4  }
0x18b: {  	[hbm4b:s31+s3] =	stream.linear.scatter [tilespmem:s30], [sflag:$0x4], $0x80, $0x38;
	[tilespmem:$0x110A0] =	vst v63  }
0x18c: {  	s6 =	sadd.s32 $0xF038, s0;
	s7 =	sadd.s32 $0x30, s4  }
0x18d: {  	[hbm4b:s7+s3] =	stream.linear.scatter [tilespmem:s6], [sflag:$0x4], $0x80, $0x38;
	[tilespmem:$0x110A0] =	vst v63  }
0x18e: {  	s8 =	sadd.s32 $0xF0C0, s0;
	s15 =	sadd.s32 $0x40, s4;
	s29 =	sadd.s32 $0x1, s29  }
0x18f: {  	[hbm4b:s15+s3] =	stream.linear.scatter [tilespmem:s8], [sflag:$0x4], $0x80, $0x38;
	[tilespmem:$0x110A0] =	vst v63  }
0x190: {  	s16 =	sadd.s32 $0xF148, s0;
	s17 =	sadd.s32 $0x50, s4;
	p1 =	sne.s32 s29, $0x64  }
0x191: {  	[hbm4b:s17+s3] =	stream.linear.scatter [tilespmem:s16], [sflag:$0x4], $0x80, $0x38;
	[tilespmem:$0x110A0] =	vst v63  }
.Ltmp8:
0x192: {  	_ = 	snop;
	(pc) =	sbr.rel @p1 .LBB2_10-.Ltmp8, $4  }
0x193: {  	s18 =	sadd.s32 $0xF1D0, s0;
	s19 =	sadd.s32 $0x60, s4  }
0x194: {  	[hbm4b:s19+s3] =	stream.linear.scatter [tilespmem:s18], [sflag:$0x4], $0x80, $0x38;
	[tilespmem:$0x110A0] =	vst v63  }
0x195: {  	s30 =	sadd.s32 $0xF258, s0;
	s31 =	sadd.s32 $0x70, s4  }
0x196: {  	[hbm4b:s31+s3] =	stream.linear.scatter [tilespmem:s30], [sflag:$0x4], $0x80, $0x38;
	[tilespmem:$0x110A0] =	vst v63  }
0x197: {  	s26 =	sadd.s32 $0x1, s26  }
0x198: {  	_ =	swait.ge [sflag:s24], $0x2000;
	p1 =	sne.s32 s26, s11  }
.Ltmp9:
0x199: {  	[sflag:s24] =	ssyncset.done $0x0;
	(pc) =	sbr.rel @p1 .LBB2_1-.Ltmp9, $4  }
0x19a: {  	[sflag:s24] =	ssyncadd.s32 $0xFFFFE000  }
0x19b: {  	_ =	swait.ge [sflag:s25], $0x2000  }
0x19c: {  	[sflag:s25] =	ssyncset.done $0x0  }
0x19d: {  	[sflag:s25] =	ssyncadd.s32 $0xFFFFE000  }
0x19e: {  	_ =	sfence.sel $0x180000  }
0x19f: {  	[bflag:$0x0] =	sbarrier.arrive $0xFFFF  }
0x1a0: {  	_ =	strace $0x90000047  }
0x1a1: {  	[bflag:$0x2] =	sbarrier.arrive $0xFFFF  }
0x1a2: {  	s0 =	rddreg [dreg:$0x3]  }
0x1a3: {  	s0 =	sadd.s32 @!p0 $0x100000, s0  }
0x1a4: {  	[sflag:s0] =	ssyncadd.tile.s32 @!p0 $0x1;
	_ =	shalt  }
.Lfunc_end2:
_tile_overlayer_lowered:
.L_overlay_start_2:
0x1a5: {  	(tag) =	ssettag $0x2  }
0x1a6: {  	s0 =	rddreg [dreg:$0x0];
	s2 =	stileid.u32  }
0x1a7: {  	s1 =	rddreg [dreg:$0x1];
	p0 =	sne.s32 s2, $0x0  }
0x1a8: {  	s3 =	rddreg [dreg:$0x2];
	[bflag:$0x3] =	sbarrier.arrive $0xFFFF;
	s2 =	simm.s32 @!p0 $0x1C05  }
0x1a9: {  	[timem:s3], [sflag:s2] =	dma.local @!p0 [hbm:s0], s1  }
0x1aa: {  	s0 =	simm.s32 @!p0 $0x5  }
0x1ab: {  	_ =	swait.ge @!p0 [sflag:s0], s1  }
0x1ac: {  	s1 =	ssub.s32 @!p0 $0x0, s1;
	[sflag:s0] =	ssyncset.done @!p0 $0x0  }
0x1ad: {  	[sflag:s0] =	ssyncadd.s32 @!p0 s1  }
0x1ae: {  	[bflag:$0x3] =	sbarrier.arrive $0xFFFF  }
0x1af: {  	_ =	shalt  }

</sc_bundles>
